<compile_context>
chip_gen: v7x
topology: tpu7x:2x2x1
jax: 0.10.2.dev20260603
libtpu: 0.0.44.dev20260713+nightly
codegen_flags: <defaults>
</compile_context>

<pallas_src>
import functools

import jax
import jax.numpy as jnp
from jax import lax
from jax.experimental import pallas as pl
from jax.experimental.pallas import tpu as pltpu
from jax.experimental.pallas import tpu_sc as plsc

B = 1024
K = 16
D = 32
NUM_REL = 32
GRP = 128 // D

_NC = 2
_NS = 16
_NW = _NC * _NS
_BPW = B // _NW


def _sc_gather_body(u4_hbm, v_hbm, v4_hbm, adjc_hbm, usr4_hbm, ent4_hbm,
                    ug_out, vg_out, ac_out, ng_out,
                    u4_v, v_v, v4_v, ug_v, vg_v, ac_v, nbr4_flat,
                    ng_v, sem, sem2):
    wid = lax.axis_index("s") * _NC + lax.axis_index("c")
    base = wid * _BPW
    pltpu.sync_copy(u4_hbm.at[pl.ds(base, _BPW)], u4_v)
    pltpu.sync_copy(v_hbm.at[pl.ds(base, _BPW)], v_v)
    pltpu.sync_copy(v4_hbm.at[pl.ds(base, _BPW)], v4_v)

    c_ue = pltpu.async_copy(usr4_hbm.at[u4_v], ug_v, sem)
    c_vs = pltpu.async_copy(ent4_hbm.at[v4_v], vg_v, sem)
    c_nb = pltpu.async_copy(adjc_hbm.at[v_v], ac_v, sem2)
    c_nb.wait()

    for i in range(_BPW):
        nbr4_flat[pl.ds(i * K, K)] = lax.shift_right_logical(
            ac_v[i, pl.ds(0, K)], 2)

    chunk = 128
    copies = []
    for j in range(0, _BPW * K, chunk):
        copies.append(
            pltpu.async_copy(ent4_hbm.at[nbr4_flat.at[pl.ds(j, chunk)]],
                             ng_v.at[pl.ds(j, chunk)], sem2))
    c_ue.wait()
    c_vs.wait()
    for c in copies:
        c.wait()

    pltpu.sync_copy(ug_v, ug_out.at[pl.ds(base, _BPW)])
    pltpu.sync_copy(vg_v, vg_out.at[pl.ds(base, _BPW)])
    pltpu.sync_copy(ac_v, ac_out.at[pl.ds(base, _BPW)])
    pltpu.sync_copy(ng_v, ng_out.at[pl.ds(base * K, _BPW * K)])


@functools.cache
def _sc_gather_call():
    mesh = plsc.VectorSubcoreMesh(core_axis_name="c", subcore_axis_name="s",
                                  num_cores=_NC, num_subcores=_NS)
    return pl.kernel(
        _sc_gather_body,
        out_type=[
            jax.ShapeDtypeStruct((B, 128), jnp.float32),
            jax.ShapeDtypeStruct((B, 128), jnp.float32),
            jax.ShapeDtypeStruct((B, 128), jnp.int32),
            jax.ShapeDtypeStruct((B * K, 128), jnp.float32),
        ],
        mesh=mesh,
        scratch_types=[
            pltpu.VMEM((_BPW,), jnp.int32),
            pltpu.VMEM((_BPW,), jnp.int32),
            pltpu.VMEM((_BPW,), jnp.int32),
            pltpu.VMEM((_BPW, 128), jnp.float32),
            pltpu.VMEM((_BPW, 128), jnp.float32),
            pltpu.VMEM((_BPW, 128), jnp.int32),
            pltpu.VMEM((_BPW * K,), jnp.int32),
            pltpu.VMEM((_BPW * K, 128), jnp.float32),
            pltpu.SemaphoreType.DMA,
            pltpu.SemaphoreType.DMA,
        ],
    )


def _sel4(grp, off):
    ndim = grp.ndim
    io = lax.broadcasted_iota(jnp.int32, grp.shape, ndim - 2)
    oh = off[..., None, None] == io
    return jnp.sum(jnp.where(oh, grp, 0.0), axis=ndim - 2)


_BT = 128


def _tc_body(u_ref, v_ref, ug_ref, vg_ref, ac_ref, ng_ref,
             rel_emb_ref, w_ref, b_ref, out_ref):
    uo = u_ref[...] & (GRP - 1)
    vo = v_ref[...] & (GRP - 1)
    u_e = _sel4(ug_ref[...].reshape(_BT, GRP, D), uo[:, 0])
    v_self = _sel4(vg_ref[...].reshape(_BT, GRP, D), vo[:, 0])
    logits = lax.dot_general(u_e, rel_emb_ref[...],
                             (((1,), (1,)), ((), ())),
                             preferred_element_type=jnp.float32)
    ac = ac_ref[...]
    nbr = ac[:, :K]
    rel = ac[:, K:2 * K]
    r_iota = lax.broadcasted_iota(jnp.int32, (_BT, K, NUM_REL), 2)
    onehot = rel[:, :, None] == r_iota
    scores = jnp.sum(jnp.where(onehot, logits[:, None, :], 0.0), axis=2)
    scores = jax.nn.softmax(scores, axis=1)
    n_e = _sel4(ng_ref[...].reshape(_BT, K, GRP, D),
                nbr & (GRP - 1))
    e_u = jnp.sum(scores[:, :, None] * n_e, axis=1)
    h = lax.dot_general(e_u + v_self, w_ref[...],
                        (((1,), (1,)), ((), ())),
                        preferred_element_type=jnp.float32)
    v_u = jnp.maximum(h + b_ref[...], 0.0)
    out_ref[...] = jax.nn.sigmoid(
        jnp.sum(u_e * v_u, axis=1, keepdims=True))


_tc_call = pl.pallas_call(
    _tc_body,
    grid=(B // _BT,),
    in_specs=[
        pl.BlockSpec((_BT, 1), lambda i: (i, 0)),
        pl.BlockSpec((_BT, 1), lambda i: (i, 0)),
        pl.BlockSpec((_BT, 128), lambda i: (i, 0)),
        pl.BlockSpec((_BT, 128), lambda i: (i, 0)),
        pl.BlockSpec((_BT, 128), lambda i: (i, 0)),
        pl.BlockSpec((_BT * K, 128), lambda i: (i, 0)),
        pl.BlockSpec((D, NUM_REL), lambda i: (0, 0)),
        pl.BlockSpec((D, D), lambda i: (0, 0)),
        pl.BlockSpec((1, D), lambda i: (0, 0)),
    ],
    out_specs=pl.BlockSpec((_BT, 1), lambda i: (i, 0)),
    out_shape=jax.ShapeDtypeStruct((B, 1), jnp.float32),
)


@jax.jit
def kernel(u, v, adj_ent, adj_rel, usr_emb, ent_emb, rel_emb, W, b):
    usr4 = usr_emb.reshape(-1, 128)
    ent4 = ent_emb.reshape(-1, 128)
    adjc = jnp.pad(jnp.concatenate([adj_ent, adj_rel], axis=1),
                   ((0, 0), (0, 128 - 2 * K)))
    ug, vg, ac, ng = _sc_gather_call()(
        u // GRP, v, v // GRP, adjc, usr4, ent4)
    out = _tc_call(u.reshape(B, 1), v.reshape(B, 1), ug, vg, ac, ng,
                   rel_emb, W, b.reshape(1, D))
    return out.reshape(B)

# --- scband reference (transcript-rebuilt; emitter-appended) ---
"""Pipeline reference for scband-kgcn-27221502722624 (READ-ONLY COPY).

The authoritative reference and input builder live on the scoring server;
editing this copy changes nothing except your own understanding.
"""

import jax, jax.numpy as jnp
import numpy as np

B = 1024
NUM_USER = 10000
NUM_ENT = 100000
NUM_REL = 32
K = 16   # neighbor_sample_size
D = 32   # dim


def setup_inputs(seed: int = 0) -> dict:
    key = jax.random.key(seed)
    ks = jax.random.split(key, 9)
    u = jax.random.randint(ks[0], (B,), 0, NUM_USER)
    v = jax.random.randint(ks[1], (B,), 0, NUM_ENT)
    # precomputed fixed-size sampled adjacency (the module's _gen_adj output)
    adj_ent = jax.random.randint(ks[2], (NUM_ENT, K), 0, NUM_ENT)
    adj_rel = jax.random.randint(ks[3], (NUM_ENT, K), 0, NUM_REL)
    # learned parameters
    usr_emb = jax.random.normal(ks[4], (NUM_USER, D), dtype=jnp.float32)
    ent_emb = jax.random.normal(ks[5], (NUM_ENT, D), dtype=jnp.float32)
    rel_emb = jax.random.normal(ks[6], (NUM_REL, D), dtype=jnp.float32)
    W = jax.random.normal(ks[7], (D, D), dtype=jnp.float32) * 0.1  # agg_weight.weight
    b = jnp.zeros((D,), dtype=jnp.float32)                          # agg_weight.bias
    return {"u": u, "v": v, "adj_ent": adj_ent, "adj_rel": adj_rel,
            "usr_emb": usr_emb, "ent_emb": ent_emb, "rel_emb": rel_emb,
            "W": W, "b": b}


def reference(u, v, adj_ent, adj_rel, usr_emb, ent_emb, rel_emb, W, b):
    # Vectorized KGCN forward with n_iter=1, aggregator='sum'.
    # For each batch item: receptive field m[1] = {v}, so the final
    # representation is aggregate(message_passing(u, v), ent(v)).
    u_e = jnp.take(usr_emb, u, axis=0)                 # [B, D]  gather
    nbr = jnp.take(adj_ent, v, axis=0)                 # [B, K]  gather
    rel = jnp.take(adj_rel, v, axis=0)                 # [B, K]  gather
    r_e = jnp.take(rel_emb, rel, axis=0)               # [B, K, D]
    # pi_{u,r} = softmax_k( usr(u) . rel(r_k) )
    scores = jax.nn.softmax(jnp.einsum('bd,bkd->bk', u_e, r_e), axis=-1)  # [B, K]
    n_e = jnp.take(ent_emb, nbr, axis=0)               # [B, K, D]  gather
    e_u_neighbor = jnp.einsum('bk,bkd->bd', scores, n_e)  # [B, D]
    v_self = jnp.take(ent_emb, v, axis=0)              # [B, D]
    # aggregator == 'sum': relu(Linear(v + v_u))
    v_u = jax.nn.relu((e_u_neighbor + v_self) @ W.T + b)  # [B, D]
    return jax.nn.sigmoid(jnp.sum(u_e * v_u, axis=1))     # [B]

if __name__ == "__main__":
    import jax
    _d = setup_inputs()
    print(jax.jit(kernel)(*tuple(_d.values())))

</pallas_src>

<mosaic_0001>
#map = affine_map<(d0, d1) -> (0)>
#map1 = affine_map<(d0, d1) -> (0, 0)>
module attributes {stable_mosaic.version = 14 : i64} {
  func.func @_sc_gather_body(%arg0: i32, %arg1: i32, %arg2: memref<1024xi32, #tpu.memory_space<hbm>>, %arg3: memref<1024xi32, #tpu.memory_space<hbm>>, %arg4: memref<1024xi32, #tpu.memory_space<hbm>>, %arg5: memref<100000x128xi32, #tpu.memory_space<hbm>>, %arg6: memref<2500x128xf32, #tpu.memory_space<hbm>>, %arg7: memref<25000x128xf32, #tpu.memory_space<hbm>>, %arg8: memref<1024x128xf32, #tpu.memory_space<hbm>>, %arg9: memref<1024x128xf32, #tpu.memory_space<hbm>>, %arg10: memref<1024x128xi32, #tpu.memory_space<hbm>>, %arg11: memref<16384x128xf32, #tpu.memory_space<hbm>>, %arg12: memref<32xi32, #tpu.memory_space<vmem>>, %arg13: memref<32xi32, #tpu.memory_space<vmem>>, %arg14: memref<32xi32, #tpu.memory_space<vmem>>, %arg15: memref<32x128xf32, #tpu.memory_space<vmem>>, %arg16: memref<32x128xf32, #tpu.memory_space<vmem>>, %arg17: memref<32x128xi32, #tpu.memory_space<vmem>>, %arg18: memref<512xi32, #tpu.memory_space<vmem>>, %arg19: memref<512x128xf32, #tpu.memory_space<vmem>>, %arg20: memref<!tpu.dma_semaphore, #tpu.memory_space<semaphore_mem>>, %arg21: memref<!tpu.dma_semaphore, #tpu.memory_space<semaphore_mem>>) attributes {dimension_semantics = [#tpu.dimension_semantics<core_parallel>, #tpu.dimension_semantics<subcore_parallel>], iteration_bounds = array<i64: 2, 16>, scalar_prefetch = 0 : i64, scratch_operands = 10 : i64, tpu.core_type = #tpu.core_type<sc_vector_subcore>, window_params = [{transform_indices = #map}, {transform_indices = #map}, {transform_indices = #map}, {transform_indices = #map1}, {transform_indices = #map1}, {transform_indices = #map1}, {transform_indices = #map1}, {transform_indices = #map1}, {transform_indices = #map1}, {transform_indices = #map1}]} {
    %mul3A = arith.constant 2 : i32
    %mul3A_0 = arith.muli %arg1, %mul3A : i32
    %add3A = arith.addi %mul3A_0, %arg0 : i32
    %mul3A_1 = arith.constant 32 : i32
    %mul3A_2 = arith.muli %add3A, %mul3A_1 : i32
    "tpu.region"() ({
      %run_scoped3A = tpu.sem_alloc : memref<!tpu.dma_semaphore, #tpu.memory_space<semaphore_mem>>
      %dma_start3A_466 = tpu.memref_slice %arg2[%mul3A_2] : memref<1024xi32, #tpu.memory_space<hbm>> -> memref<32xi32, #tpu.memory_space<hbm>>
      %dma_start3A_467 = tpu.memref_slice %arg2[%mul3A_2] : memref<1024xi32, #tpu.memory_space<hbm>> -> memref<32xi32, #tpu.memory_space<hbm>>
      tpu.enqueue_dma source(%dma_start3A_467 : memref<32xi32, #tpu.memory_space<hbm>>) target(%arg12 : memref<32xi32, #tpu.memory_space<vmem>>) target_semaphore(%run_scoped3A : memref<!tpu.dma_semaphore, #tpu.memory_space<semaphore_mem>>)
      %dma_wait3A_468 = tpu.memref_slice %arg2[%mul3A_2] : memref<1024xi32, #tpu.memory_space<hbm>> -> memref<32xi32, #tpu.memory_space<hbm>>
      %dma_wait3A_469 = tpu.memref_slice %arg2[%mul3A_2] : memref<1024xi32, #tpu.memory_space<hbm>> -> memref<32xi32, #tpu.memory_space<hbm>>
      tpu.wait_dma2 semaphore(%run_scoped3A : memref<!tpu.dma_semaphore, #tpu.memory_space<semaphore_mem>>) src(%dma_wait3A_469 : memref<32xi32, #tpu.memory_space<hbm>>) dst(%arg12 : memref<32xi32, #tpu.memory_space<vmem>>)
      tpu.yield
    }) : () -> ()
    "tpu.region"() ({
      %run_scoped3A = tpu.sem_alloc : memref<!tpu.dma_semaphore, #tpu.memory_space<semaphore_mem>>
      %dma_start3A_466 = tpu.memref_slice %arg3[%mul3A_2] : memref<1024xi32, #tpu.memory_space<hbm>> -> memref<32xi32, #tpu.memory_space<hbm>>
      %dma_start3A_467 = tpu.memref_slice %arg3[%mul3A_2] : memref<1024xi32, #tpu.memory_space<hbm>> -> memref<32xi32, #tpu.memory_space<hbm>>
      tpu.enqueue_dma source(%dma_start3A_467 : memref<32xi32, #tpu.memory_space<hbm>>) target(%arg13 : memref<32xi32, #tpu.memory_space<vmem>>) target_semaphore(%run_scoped3A : memref<!tpu.dma_semaphore, #tpu.memory_space<semaphore_mem>>)
      %dma_wait3A_468 = tpu.memref_slice %arg3[%mul3A_2] : memref<1024xi32, #tpu.memory_space<hbm>> -> memref<32xi32, #tpu.memory_space<hbm>>
      %dma_wait3A_469 = tpu.memref_slice %arg3[%mul3A_2] : memref<1024xi32, #tpu.memory_space<hbm>> -> memref<32xi32, #tpu.memory_space<hbm>>
      tpu.wait_dma2 semaphore(%run_scoped3A : memref<!tpu.dma_semaphore, #tpu.memory_space<semaphore_mem>>) src(%dma_wait3A_469 : memref<32xi32, #tpu.memory_space<hbm>>) dst(%arg13 : memref<32xi32, #tpu.memory_space<vmem>>)
      tpu.yield
    }) : () -> ()
    "tpu.region"() ({
      %run_scoped3A = tpu.sem_alloc : memref<!tpu.dma_semaphore, #tpu.memory_space<semaphore_mem>>
      %dma_start3A_466 = tpu.memref_slice %arg4[%mul3A_2] : memref<1024xi32, #tpu.memory_space<hbm>> -> memref<32xi32, #tpu.memory_space<hbm>>
      %dma_start3A_467 = tpu.memref_slice %arg4[%mul3A_2] : memref<1024xi32, #tpu.memory_space<hbm>> -> memref<32xi32, #tpu.memory_space<hbm>>
      tpu.enqueue_dma source(%dma_start3A_467 : memref<32xi32, #tpu.memory_space<hbm>>) target(%arg14 : memref<32xi32, #tpu.memory_space<vmem>>) target_semaphore(%run_scoped3A : memref<!tpu.dma_semaphore, #tpu.memory_space<semaphore_mem>>)
      %dma_wait3A_468 = tpu.memref_slice %arg4[%mul3A_2] : memref<1024xi32, #tpu.memory_space<hbm>> -> memref<32xi32, #tpu.memory_space<hbm>>
      %dma_wait3A_469 = tpu.memref_slice %arg4[%mul3A_2] : memref<1024xi32, #tpu.memory_space<hbm>> -> memref<32xi32, #tpu.memory_space<hbm>>
      tpu.wait_dma2 semaphore(%run_scoped3A : memref<!tpu.dma_semaphore, #tpu.memory_space<semaphore_mem>>) src(%dma_wait3A_469 : memref<32xi32, #tpu.memory_space<hbm>>) dst(%arg14 : memref<32xi32, #tpu.memory_space<vmem>>)
      tpu.yield
    }) : () -> ()
    %dma_start3A = arith.constant 0 : i32
    %dma_start3A_3 = arith.constant 0 : i32
    %dma_start3A_4 = tpu.memref_slice %arg6[%dma_start3A, %dma_start3A_3] : memref<2500x128xf32, #tpu.memory_space<hbm>> -> memref<2500x128xf32, #tpu.memory_space<hbm>>
    tpu.enqueue_indirect_dma source(%dma_start3A_4 : memref<2500x128xf32, #tpu.memory_space<hbm>>) target(%arg15 : memref<32x128xf32, #tpu.memory_space<vmem>>) offsets(%arg12 : memref<32xi32, #tpu.memory_space<vmem>>) semaphore(%arg20 : memref<!tpu.dma_semaphore, #tpu.memory_space<semaphore_mem>>)
    %dma_start3A_5 = arith.constant 0 : i32
    %dma_start3A_6 = arith.constant 0 : i32
    %dma_start3A_7 = tpu.memref_slice %arg7[%dma_start3A_5, %dma_start3A_6] : memref<25000x128xf32, #tpu.memory_space<hbm>> -> memref<25000x128xf32, #tpu.memory_space<hbm>>
    tpu.enqueue_indirect_dma source(%dma_start3A_7 : memref<25000x128xf32, #tpu.memory_space<hbm>>) target(%arg16 : memref<32x128xf32, #tpu.memory_space<vmem>>) offsets(%arg14 : memref<32xi32, #tpu.memory_space<vmem>>) semaphore(%arg20 : memref<!tpu.dma_semaphore, #tpu.memory_space<semaphore_mem>>)
    %dma_start3A_8 = arith.constant 0 : i32
    %dma_start3A_9 = arith.constant 0 : i32
    %dma_start3A_10 = tpu.memref_slice %arg5[%dma_start3A_8, %dma_start3A_9] : memref<100000x128xi32, #tpu.memory_space<hbm>> -> memref<100000x128xi32, #tpu.memory_space<hbm>>
    tpu.enqueue_indirect_dma source(%dma_start3A_10 : memref<100000x128xi32, #tpu.memory_space<hbm>>) target(%arg17 : memref<32x128xi32, #tpu.memory_space<vmem>>) offsets(%arg13 : memref<32xi32, #tpu.memory_space<vmem>>) semaphore(%arg21 : memref<!tpu.dma_semaphore, #tpu.memory_space<semaphore_mem>>)
    %dma_wait3A = arith.constant 0 : i32
    %dma_wait3A_11 = arith.constant 0 : i32
    %dma_wait3A_12 = tpu.memref_slice %arg5[%dma_wait3A, %dma_wait3A_11] : memref<100000x128xi32, #tpu.memory_space<hbm>> -> memref<100000x128xi32, #tpu.memory_space<hbm>>
    tpu.wait_indirect_dma semaphore(%arg21 : memref<!tpu.dma_semaphore, #tpu.memory_space<semaphore_mem>>) src(%dma_wait3A_12 : memref<100000x128xi32, #tpu.memory_space<hbm>>) dst(%arg17 : memref<32x128xi32, #tpu.memory_space<vmem>>)
    %get3A = arith.constant 0 : i32
    %get3A_13 = arith.index_cast %get3A : i32 to index
    %get3A_14 = arith.constant 0 : index
    %get3A_15 = tpu.vector_load %arg17[%get3A_13, %get3A_14] {strides = array<i32>} : memref<32x128xi32, #tpu.memory_space<vmem>>, vector<1x16xi32>,
    %get3A_16 = vector.shape_cast %get3A_15 : vector<1x16xi32> to vector<16xi32>
    %shift_right_logical3A = arith.constant 2 : i32
    %shift_right_logical3A_17 = vector.broadcast %shift_right_logical3A : i32 to vector<16xi32>
    %shift_right_logical3A_18 = arith.shrui %get3A_16, %shift_right_logical3A_17 : vector<16xi32>
    %swap3A = arith.constant 0 : index
    %swap3A_19 = tpu.vector_load %arg18[%swap3A] {strides = array<i32>} : memref<512xi32, #tpu.memory_space<vmem>>, vector<16xi32>,
    %swap3A_20 = vector.shape_cast %swap3A_19 : vector<16xi32> to vector<16xi32>
    %swap3A_21 = vector.shape_cast %shift_right_logical3A_18 : vector<16xi32> to vector<16xi32>
    tpu.vector_store %arg18[%swap3A], %swap3A_21 {strides = array<i32>} : memref<512xi32, #tpu.memory_space<vmem>>, vector<16xi32>,
    %get3A_22 = arith.constant 1 : i32
    %get3A_23 = arith.index_cast %get3A_22 : i32 to index
    %get3A_24 = arith.constant 0 : index
    %get3A_25 = tpu.vector_load %arg17[%get3A_23, %get3A_24] {strides = array<i32>} : memref<32x128xi32, #tpu.memory_space<vmem>>, vector<1x16xi32>,
    %get3A_26 = vector.shape_cast %get3A_25 : vector<1x16xi32> to vector<16xi32>
    %shift_right_logical3A_27 = arith.constant 2 : i32
    %shift_right_logical3A_28 = vector.broadcast %shift_right_logical3A_27 : i32 to vector<16xi32>
    %shift_right_logical3A_29 = arith.shrui %get3A_26, %shift_right_logical3A_28 : vector<16xi32>
    %swap3A_30 = arith.constant 16 : index
    %swap3A_31 = tpu.vector_load %arg18[%swap3A_30] {strides = array<i32>} : memref<512xi32, #tpu.memory_space<vmem>>, vector<16xi32>,
    %swap3A_32 = vector.shape_cast %swap3A_31 : vector<16xi32> to vector<16xi32>
    %swap3A_33 = vector.shape_cast %shift_right_logical3A_29 : vector<16xi32> to vector<16xi32>
    tpu.vector_store %arg18[%swap3A_30], %swap3A_33 {strides = array<i32>} : memref<512xi32, #tpu.memory_space<vmem>>, vector<16xi32>,
    %get3A_34 = arith.constant 2 : i32
    %get3A_35 = arith.index_cast %get3A_34 : i32 to index
    %get3A_36 = arith.constant 0 : index
    %get3A_37 = tpu.vector_load %arg17[%get3A_35, %get3A_36] {strides = array<i32>} : memref<32x128xi32, #tpu.memory_space<vmem>>, vector<1x16xi32>,
    %get3A_38 = vector.shape_cast %get3A_37 : vector<1x16xi32> to vector<16xi32>
    %shift_right_logical3A_39 = arith.constant 2 : i32
    %shift_right_logical3A_40 = vector.broadcast %shift_right_logical3A_39 : i32 to vector<16xi32>
    %shift_right_logical3A_41 = arith.shrui %get3A_38, %shift_right_logical3A_40 : vector<16xi32>
    %swap3A_42 = arith.constant 32 : index
    %swap3A_43 = tpu.vector_load %arg18[%swap3A_42] {strides = array<i32>} : memref<512xi32, #tpu.memory_space<vmem>>, vector<16xi32>,
    %swap3A_44 = vector.shape_cast %swap3A_43 : vector<16xi32> to vector<16xi32>
    %swap3A_45 = vector.shape_cast %shift_right_logical3A_41 : vector<16xi32> to vector<16xi32>
    tpu.vector_store %arg18[%swap3A_42], %swap3A_45 {strides = array<i32>} : memref<512xi32, #tpu.memory_space<vmem>>, vector<16xi32>,
    %get3A_46 = arith.constant 3 : i32
    %get3A_47 = arith.index_cast %get3A_46 : i32 to index
    %get3A_48 = arith.constant 0 : index
    %get3A_49 = tpu.vector_load %arg17[%get3A_47, %get3A_48] {strides = array<i32>} : memref<32x128xi32, #tpu.memory_space<vmem>>, vector<1x16xi32>,
    %get3A_50 = vector.shape_cast %get3A_49 : vector<1x16xi32> to vector<16xi32>
    %shift_right_logical3A_51 = arith.constant 2 : i32
    %shift_right_logical3A_52 = vector.broadcast %shift_right_logical3A_51 : i32 to vector<16xi32>
    %shift_right_logical3A_53 = arith.shrui %get3A_50, %shift_right_logical3A_52 : vector<16xi32>
    %swap3A_54 = arith.constant 48 : index
    %swap3A_55 = tpu.vector_load %arg18[%swap3A_54] {strides = array<i32>} : memref<512xi32, #tpu.memory_space<vmem>>, vector<16xi32>,
    %swap3A_56 = vector.shape_cast %swap3A_55 : vector<16xi32> to vector<16xi32>
    %swap3A_57 = vector.shape_cast %shift_right_logical3A_53 : vector<16xi32> to vector<16xi32>
    tpu.vector_store %arg18[%swap3A_54], %swap3A_57 {strides = array<i32>} : memref<512xi32, #tpu.memory_space<vmem>>, vector<16xi32>,
    %get3A_58 = arith.constant 4 : i32
    %get3A_59 = arith.index_cast %get3A_58 : i32 to index
    %get3A_60 = arith.constant 0 : index
    %get3A_61 = tpu.vector_load %arg17[%get3A_59, %get3A_60] {strides = array<i32>} : memref<32x128xi32, #tpu.memory_space<vmem>>, vector<1x16xi32>,
    %get3A_62 = vector.shape_cast %get3A_61 : vector<1x16xi32> to vector<16xi32>
    %shift_right_logical3A_63 = arith.constant 2 : i32
    %shift_right_logical3A_64 = vector.broadcast %shift_right_logical3A_63 : i32 to vector<16xi32>
    %shift_right_logical3A_65 = arith.shrui %get3A_62, %shift_right_logical3A_64 : vector<16xi32>
    %swap3A_66 = arith.constant 64 : index
    %swap3A_67 = tpu.vector_load %arg18[%swap3A_66] {strides = array<i32>} : memref<512xi32, #tpu.memory_space<vmem>>, vector<16xi32>,
    %swap3A_68 = vector.shape_cast %swap3A_67 : vector<16xi32> to vector<16xi32>
    %swap3A_69 = vector.shape_cast %shift_right_logical3A_65 : vector<16xi32> to vector<16xi32>
    tpu.vector_store %arg18[%swap3A_66], %swap3A_69 {strides = array<i32>} : memref<512xi32, #tpu.memory_space<vmem>>, vector<16xi32>,
    %get3A_70 = arith.constant 5 : i32
    %get3A_71 = arith.index_cast %get3A_70 : i32 to index
    %get3A_72 = arith.constant 0 : index
    %get3A_73 = tpu.vector_load %arg17[%get3A_71, %get3A_72] {strides = array<i32>} : memref<32x128xi32, #tpu.memory_space<vmem>>, vector<1x16xi32>,
    %get3A_74 = vector.shape_cast %get3A_73 : vector<1x16xi32> to vector<16xi32>
    %shift_right_logical3A_75 = arith.constant 2 : i32
    %shift_right_logical3A_76 = vector.broadcast %shift_right_logical3A_75 : i32 to vector<16xi32>
    %shift_right_logical3A_77 = arith.shrui %get3A_74, %shift_right_logical3A_76 : vector<16xi32>
    %swap3A_78 = arith.constant 80 : index
    %swap3A_79 = tpu.vector_load %arg18[%swap3A_78] {strides = array<i32>} : memref<512xi32, #tpu.memory_space<vmem>>, vector<16xi32>,
    %swap3A_80 = vector.shape_cast %swap3A_79 : vector<16xi32> to vector<16xi32>
    %swap3A_81 = vector.shape_cast %shift_right_logical3A_77 : vector<16xi32> to vector<16xi32>
    tpu.vector_store %arg18[%swap3A_78], %swap3A_81 {strides = array<i32>} : memref<512xi32, #tpu.memory_space<vmem>>, vector<16xi32>,
    %get3A_82 = arith.constant 6 : i32
    %get3A_83 = arith.index_cast %get3A_82 : i32 to index
    %get3A_84 = arith.constant 0 : index
    %get3A_85 = tpu.vector_load %arg17[%get3A_83, %get3A_84] {strides = array<i32>} : memref<32x128xi32, #tpu.memory_space<vmem>>, vector<1x16xi32>,
    %get3A_86 = vector.shape_cast %get3A_85 : vector<1x16xi32> to vector<16xi32>
    %shift_right_logical3A_87 = arith.constant 2 : i32
    %shift_right_logical3A_88 = vector.broadcast %shift_right_logical3A_87 : i32 to vector<16xi32>
    %shift_right_logical3A_89 = arith.shrui %get3A_86, %shift_right_logical3A_88 : vector<16xi32>
    %swap3A_90 = arith.constant 96 : index
    %swap3A_91 = tpu.vector_load %arg18[%swap3A_90] {strides = array<i32>} : memref<512xi32, #tpu.memory_space<vmem>>, vector<16xi32>,
    %swap3A_92 = vector.shape_cast %swap3A_91 : vector<16xi32> to vector<16xi32>
    %swap3A_93 = vector.shape_cast %shift_right_logical3A_89 : vector<16xi32> to vector<16xi32>
    tpu.vector_store %arg18[%swap3A_90], %swap3A_93 {strides = array<i32>} : memref<512xi32, #tpu.memory_space<vmem>>, vector<16xi32>,
    %get3A_94 = arith.constant 7 : i32
    %get3A_95 = arith.index_cast %get3A_94 : i32 to index
    %get3A_96 = arith.constant 0 : index
    %get3A_97 = tpu.vector_load %arg17[%get3A_95, %get3A_96] {strides = array<i32>} : memref<32x128xi32, #tpu.memory_space<vmem>>, vector<1x16xi32>,
    %get3A_98 = vector.shape_cast %get3A_97 : vector<1x16xi32> to vector<16xi32>
    %shift_right_logical3A_99 = arith.constant 2 : i32
    %shift_right_logical3A_100 = vector.broadcast %shift_right_logical3A_99 : i32 to vector<16xi32>
    %shift_right_logical3A_101 = arith.shrui %get3A_98, %shift_right_logical3A_100 : vector<16xi32>
    %swap3A_102 = arith.constant 112 : index
    %swap3A_103 = tpu.vector_load %arg18[%swap3A_102] {strides = array<i32>} : memref<512xi32, #tpu.memory_space<vmem>>, vector<16xi32>,
    %swap3A_104 = vector.shape_cast %swap3A_103 : vector<16xi32> to vector<16xi32>
    %swap3A_105 = vector.shape_cast %shift_right_logical3A_101 : vector<16xi32> to vector<16xi32>
    tpu.vector_store %arg18[%swap3A_102], %swap3A_105 {strides = array<i32>} : memref<512xi32, #tpu.memory_space<vmem>>, vector<16xi32>,
    %get3A_106 = arith.constant 8 : i32
    %get3A_107 = arith.index_cast %get3A_106 : i32 to index
    %get3A_108 = arith.constant 0 : index
    %get3A_109 = tpu.vector_load %arg17[%get3A_107, %get3A_108] {strides = array<i32>} : memref<32x128xi32, #tpu.memory_space<vmem>>, vector<1x16xi32>,
    %get3A_110 = vector.shape_cast %get3A_109 : vector<1x16xi32> to vector<16xi32>
    %shift_right_logical3A_111 = arith.constant 2 : i32
    %shift_right_logical3A_112 = vector.broadcast %shift_right_logical3A_111 : i32 to vector<16xi32>
    %shift_right_logical3A_113 = arith.shrui %get3A_110, %shift_right_logical3A_112 : vector<16xi32>
    %swap3A_114 = arith.constant 128 : index
    %swap3A_115 = tpu.vector_load %arg18[%swap3A_114] {strides = array<i32>} : memref<512xi32, #tpu.memory_space<vmem>>, vector<16xi32>,
    %swap3A_116 = vector.shape_cast %swap3A_115 : vector<16xi32> to vector<16xi32>
    %swap3A_117 = vector.shape_cast %shift_right_logical3A_113 : vector<16xi32> to vector<16xi32>
    tpu.vector_store %arg18[%swap3A_114], %swap3A_117 {strides = array<i32>} : memref<512xi32, #tpu.memory_space<vmem>>, vector<16xi32>,
    %get3A_118 = arith.constant 9 : i32
    %get3A_119 = arith.index_cast %get3A_118 : i32 to index
    %get3A_120 = arith.constant 0 : index
    %get3A_121 = tpu.vector_load %arg17[%get3A_119, %get3A_120] {strides = array<i32>} : memref<32x128xi32, #tpu.memory_space<vmem>>, vector<1x16xi32>,
    %get3A_122 = vector.shape_cast %get3A_121 : vector<1x16xi32> to vector<16xi32>
    %shift_right_logical3A_123 = arith.constant 2 : i32
    %shift_right_logical3A_124 = vector.broadcast %shift_right_logical3A_123 : i32 to vector<16xi32>
    %shift_right_logical3A_125 = arith.shrui %get3A_122, %shift_right_logical3A_124 : vector<16xi32>
    %swap3A_126 = arith.constant 144 : index
    %swap3A_127 = tpu.vector_load %arg18[%swap3A_126] {strides = array<i32>} : memref<512xi32, #tpu.memory_space<vmem>>, vector<16xi32>,
    %swap3A_128 = vector.shape_cast %swap3A_127 : vector<16xi32> to vector<16xi32>
    %swap3A_129 = vector.shape_cast %shift_right_logical3A_125 : vector<16xi32> to vector<16xi32>
    tpu.vector_store %arg18[%swap3A_126], %swap3A_129 {strides = array<i32>} : memref<512xi32, #tpu.memory_space<vmem>>, vector<16xi32>,
    %get3A_130 = arith.constant 10 : i32
    %get3A_131 = arith.index_cast %get3A_130 : i32 to index
    %get3A_132 = arith.constant 0 : index
    %get3A_133 = tpu.vector_load %arg17[%get3A_131, %get3A_132] {strides = array<i32>} : memref<32x128xi32, #tpu.memory_space<vmem>>, vector<1x16xi32>,
    %get3A_134 = vector.shape_cast %get3A_133 : vector<1x16xi32> to vector<16xi32>
    %shift_right_logical3A_135 = arith.constant 2 : i32
    %shift_right_logical3A_136 = vector.broadcast %shift_right_logical3A_135 : i32 to vector<16xi32>
    %shift_right_logical3A_137 = arith.shrui %get3A_134, %shift_right_logical3A_136 : vector<16xi32>
    %swap3A_138 = arith.constant 160 : index
    %swap3A_139 = tpu.vector_load %arg18[%swap3A_138] {strides = array<i32>} : memref<512xi32, #tpu.memory_space<vmem>>, vector<16xi32>,
    %swap3A_140 = vector.shape_cast %swap3A_139 : vector<16xi32> to vector<16xi32>
    %swap3A_141 = vector.shape_cast %shift_right_logical3A_137 : vector<16xi32> to vector<16xi32>
    tpu.vector_store %arg18[%swap3A_138], %swap3A_141 {strides = array<i32>} : memref<512xi32, #tpu.memory_space<vmem>>, vector<16xi32>,
    %get3A_142 = arith.constant 11 : i32
    %get3A_143 = arith.index_cast %get3A_142 : i32 to index
    %get3A_144 = arith.constant 0 : index
    %get3A_145 = tpu.vector_load %arg17[%get3A_143, %get3A_144] {strides = array<i32>} : memref<32x128xi32, #tpu.memory_space<vmem>>, vector<1x16xi32>,
    %get3A_146 = vector.shape_cast %get3A_145 : vector<1x16xi32> to vector<16xi32>
    %shift_right_logical3A_147 = arith.constant 2 : i32
    %shift_right_logical3A_148 = vector.broadcast %shift_right_logical3A_147 : i32 to vector<16xi32>
    %shift_right_logical3A_149 = arith.shrui %get3A_146, %shift_right_logical3A_148 : vector<16xi32>
    %swap3A_150 = arith.constant 176 : index
    %swap3A_151 = tpu.vector_load %arg18[%swap3A_150] {strides = array<i32>} : memref<512xi32, #tpu.memory_space<vmem>>, vector<16xi32>,
    %swap3A_152 = vector.shape_cast %swap3A_151 : vector<16xi32> to vector<16xi32>
    %swap3A_153 = vector.shape_cast %shift_right_logical3A_149 : vector<16xi32> to vector<16xi32>
    tpu.vector_store %arg18[%swap3A_150], %swap3A_153 {strides = array<i32>} : memref<512xi32, #tpu.memory_space<vmem>>, vector<16xi32>,
    %get3A_154 = arith.constant 12 : i32
    %get3A_155 = arith.index_cast %get3A_154 : i32 to index
    %get3A_156 = arith.constant 0 : index
    %get3A_157 = tpu.vector_load %arg17[%get3A_155, %get3A_156] {strides = array<i32>} : memref<32x128xi32, #tpu.memory_space<vmem>>, vector<1x16xi32>,
    %get3A_158 = vector.shape_cast %get3A_157 : vector<1x16xi32> to vector<16xi32>
    %shift_right_logical3A_159 = arith.constant 2 : i32
    %shift_right_logical3A_160 = vector.broadcast %shift_right_logical3A_159 : i32 to vector<16xi32>
    %shift_right_logical3A_161 = arith.shrui %get3A_158, %shift_right_logical3A_160 : vector<16xi32>
    %swap3A_162 = arith.constant 192 : index
    %swap3A_163 = tpu.vector_load %arg18[%swap3A_162] {strides = array<i32>} : memref<512xi32, #tpu.memory_space<vmem>>, vector<16xi32>,
    %swap3A_164 = vector.shape_cast %swap3A_163 : vector<16xi32> to vector<16xi32>
    %swap3A_165 = vector.shape_cast %shift_right_logical3A_161 : vector<16xi32> to vector<16xi32>
    tpu.vector_store %arg18[%swap3A_162], %swap3A_165 {strides = array<i32>} : memref<512xi32, #tpu.memory_space<vmem>>, vector<16xi32>,
    %get3A_166 = arith.constant 13 : i32
    %get3A_167 = arith.index_cast %get3A_166 : i32 to index
    %get3A_168 = arith.constant 0 : index
    %get3A_169 = tpu.vector_load %arg17[%get3A_167, %get3A_168] {strides = array<i32>} : memref<32x128xi32, #tpu.memory_space<vmem>>, vector<1x16xi32>,
    %get3A_170 = vector.shape_cast %get3A_169 : vector<1x16xi32> to vector<16xi32>
    %shift_right_logical3A_171 = arith.constant 2 : i32
    %shift_right_logical3A_172 = vector.broadcast %shift_right_logical3A_171 : i32 to vector<16xi32>
    %shift_right_logical3A_173 = arith.shrui %get3A_170, %shift_right_logical3A_172 : vector<16xi32>
    %swap3A_174 = arith.constant 208 : index
    %swap3A_175 = tpu.vector_load %arg18[%swap3A_174] {strides = array<i32>} : memref<512xi32, #tpu.memory_space<vmem>>, vector<16xi32>,
    %swap3A_176 = vector.shape_cast %swap3A_175 : vector<16xi32> to vector<16xi32>
    %swap3A_177 = vector.shape_cast %shift_right_logical3A_173 : vector<16xi32> to vector<16xi32>
    tpu.vector_store %arg18[%swap3A_174], %swap3A_177 {strides = array<i32>} : memref<512xi32, #tpu.memory_space<vmem>>, vector<16xi32>,
    %get3A_178 = arith.constant 14 : i32
    %get3A_179 = arith.index_cast %get3A_178 : i32 to index
    %get3A_180 = arith.constant 0 : index
    %get3A_181 = tpu.vector_load %arg17[%get3A_179, %get3A_180] {strides = array<i32>} : memref<32x128xi32, #tpu.memory_space<vmem>>, vector<1x16xi32>,
    %get3A_182 = vector.shape_cast %get3A_181 : vector<1x16xi32> to vector<16xi32>
    %shift_right_logical3A_183 = arith.constant 2 : i32
    %shift_right_logical3A_184 = vector.broadcast %shift_right_logical3A_183 : i32 to vector<16xi32>
    %shift_right_logical3A_185 = arith.shrui %get3A_182, %shift_right_logical3A_184 : vector<16xi32>
    %swap3A_186 = arith.constant 224 : index
    %swap3A_187 = tpu.vector_load %arg18[%swap3A_186] {strides = array<i32>} : memref<512xi32, #tpu.memory_space<vmem>>, vector<16xi32>,
    %swap3A_188 = vector.shape_cast %swap3A_187 : vector<16xi32> to vector<16xi32>
    %swap3A_189 = vector.shape_cast %shift_right_logical3A_185 : vector<16xi32> to vector<16xi32>
    tpu.vector_store %arg18[%swap3A_186], %swap3A_189 {strides = array<i32>} : memref<512xi32, #tpu.memory_space<vmem>>, vector<16xi32>,
    %get3A_190 = arith.constant 15 : i32
    %get3A_191 = arith.index_cast %get3A_190 : i32 to index
    %get3A_192 = arith.constant 0 : index
    %get3A_193 = tpu.vector_load %arg17[%get3A_191, %get3A_192] {strides = array<i32>} : memref<32x128xi32, #tpu.memory_space<vmem>>, vector<1x16xi32>,
    %get3A_194 = vector.shape_cast %get3A_193 : vector<1x16xi32> to vector<16xi32>
    %shift_right_logical3A_195 = arith.constant 2 : i32
    %shift_right_logical3A_196 = vector.broadcast %shift_right_logical3A_195 : i32 to vector<16xi32>
    %shift_right_logical3A_197 = arith.shrui %get3A_194, %shift_right_logical3A_196 : vector<16xi32>
    %swap3A_198 = arith.constant 240 : index
    %swap3A_199 = tpu.vector_load %arg18[%swap3A_198] {strides = array<i32>} : memref<512xi32, #tpu.memory_space<vmem>>, vector<16xi32>,
    %swap3A_200 = vector.shape_cast %swap3A_199 : vector<16xi32> to vector<16xi32>
    %swap3A_201 = vector.shape_cast %shift_right_logical3A_197 : vector<16xi32> to vector<16xi32>
    tpu.vector_store %arg18[%swap3A_198], %swap3A_201 {strides = array<i32>} : memref<512xi32, #tpu.memory_space<vmem>>, vector<16xi32>,
    %get3A_202 = arith.constant 16 : i32
    %get3A_203 = arith.index_cast %get3A_202 : i32 to index
    %get3A_204 = arith.constant 0 : index
    %get3A_205 = tpu.vector_load %arg17[%get3A_203, %get3A_204] {strides = array<i32>} : memref<32x128xi32, #tpu.memory_space<vmem>>, vector<1x16xi32>,
    %get3A_206 = vector.shape_cast %get3A_205 : vector<1x16xi32> to vector<16xi32>
    %shift_right_logical3A_207 = arith.constant 2 : i32
    %shift_right_logical3A_208 = vector.broadcast %shift_right_logical3A_207 : i32 to vector<16xi32>
    %shift_right_logical3A_209 = arith.shrui %get3A_206, %shift_right_logical3A_208 : vector<16xi32>
    %swap3A_210 = arith.constant 256 : index
    %swap3A_211 = tpu.vector_load %arg18[%swap3A_210] {strides = array<i32>} : memref<512xi32, #tpu.memory_space<vmem>>, vector<16xi32>,
    %swap3A_212 = vector.shape_cast %swap3A_211 : vector<16xi32> to vector<16xi32>
    %swap3A_213 = vector.shape_cast %shift_right_logical3A_209 : vector<16xi32> to vector<16xi32>
    tpu.vector_store %arg18[%swap3A_210], %swap3A_213 {strides = array<i32>} : memref<512xi32, #tpu.memory_space<vmem>>, vector<16xi32>,
    %get3A_214 = arith.constant 17 : i32
    %get3A_215 = arith.index_cast %get3A_214 : i32 to index
    %get3A_216 = arith.constant 0 : index
    %get3A_217 = tpu.vector_load %arg17[%get3A_215, %get3A_216] {strides = array<i32>} : memref<32x128xi32, #tpu.memory_space<vmem>>, vector<1x16xi32>,
    %get3A_218 = vector.shape_cast %get3A_217 : vector<1x16xi32> to vector<16xi32>
    %shift_right_logical3A_219 = arith.constant 2 : i32
    %shift_right_logical3A_220 = vector.broadcast %shift_right_logical3A_219 : i32 to vector<16xi32>
    %shift_right_logical3A_221 = arith.shrui %get3A_218, %shift_right_logical3A_220 : vector<16xi32>
    %swap3A_222 = arith.constant 272 : index
    %swap3A_223 = tpu.vector_load %arg18[%swap3A_222] {strides = array<i32>} : memref<512xi32, #tpu.memory_space<vmem>>, vector<16xi32>,
    %swap3A_224 = vector.shape_cast %swap3A_223 : vector<16xi32> to vector<16xi32>
    %swap3A_225 = vector.shape_cast %shift_right_logical3A_221 : vector<16xi32> to vector<16xi32>
    tpu.vector_store %arg18[%swap3A_222], %swap3A_225 {strides = array<i32>} : memref<512xi32, #tpu.memory_space<vmem>>, vector<16xi32>,
    %get3A_226 = arith.constant 18 : i32
    %get3A_227 = arith.index_cast %get3A_226 : i32 to index
    %get3A_228 = arith.constant 0 : index
    %get3A_229 = tpu.vector_load %arg17[%get3A_227, %get3A_228] {strides = array<i32>} : memref<32x128xi32, #tpu.memory_space<vmem>>, vector<1x16xi32>,
    %get3A_230 = vector.shape_cast %get3A_229 : vector<1x16xi32> to vector<16xi32>
    %shift_right_logical3A_231 = arith.constant 2 : i32
    %shift_right_logical3A_232 = vector.broadcast %shift_right_logical3A_231 : i32 to vector<16xi32>
    %shift_right_logical3A_233 = arith.shrui %get3A_230, %shift_right_logical3A_232 : vector<16xi32>
    %swap3A_234 = arith.constant 288 : index
    %swap3A_235 = tpu.vector_load %arg18[%swap3A_234] {strides = array<i32>} : memref<512xi32, #tpu.memory_space<vmem>>, vector<16xi32>,
    %swap3A_236 = vector.shape_cast %swap3A_235 : vector<16xi32> to vector<16xi32>
    %swap3A_237 = vector.shape_cast %shift_right_logical3A_233 : vector<16xi32> to vector<16xi32>
    tpu.vector_store %arg18[%swap3A_234], %swap3A_237 {strides = array<i32>} : memref<512xi32, #tpu.memory_space<vmem>>, vector<16xi32>,
    %get3A_238 = arith.constant 19 : i32
    %get3A_239 = arith.index_cast %get3A_238 : i32 to index
    %get3A_240 = arith.constant 0 : index
    %get3A_241 = tpu.vector_load %arg17[%get3A_239, %get3A_240] {strides = array<i32>} : memref<32x128xi32, #tpu.memory_space<vmem>>, vector<1x16xi32>,
    %get3A_242 = vector.shape_cast %get3A_241 : vector<1x16xi32> to vector<16xi32>
    %shift_right_logical3A_243 = arith.constant 2 : i32
    %shift_right_logical3A_244 = vector.broadcast %shift_right_logical3A_243 : i32 to vector<16xi32>
    %shift_right_logical3A_245 = arith.shrui %get3A_242, %shift_right_logical3A_244 : vector<16xi32>
    %swap3A_246 = arith.constant 304 : index
    %swap3A_247 = tpu.vector_load %arg18[%swap3A_246] {strides = array<i32>} : memref<512xi32, #tpu.memory_space<vmem>>, vector<16xi32>,
    %swap3A_248 = vector.shape_cast %swap3A_247 : vector<16xi32> to vector<16xi32>
    %swap3A_249 = vector.shape_cast %shift_right_logical3A_245 : vector<16xi32> to vector<16xi32>
    tpu.vector_store %arg18[%swap3A_246], %swap3A_249 {strides = array<i32>} : memref<512xi32, #tpu.memory_space<vmem>>, vector<16xi32>,
    %get3A_250 = arith.constant 20 : i32
    %get3A_251 = arith.index_cast %get3A_250 : i32 to index
    %get3A_252 = arith.constant 0 : index
    %get3A_253 = tpu.vector_load %arg17[%get3A_251, %get3A_252] {strides = array<i32>} : memref<32x128xi32, #tpu.memory_space<vmem>>, vector<1x16xi32>,
    %get3A_254 = vector.shape_cast %get3A_253 : vector<1x16xi32> to vector<16xi32>
    %shift_right_logical3A_255 = arith.constant 2 : i32
    %shift_right_logical3A_256 = vector.broadcast %shift_right_logical3A_255 : i32 to vector<16xi32>
    %shift_right_logical3A_257 = arith.shrui %get3A_254, %shift_right_logical3A_256 : vector<16xi32>
    %swap3A_258 = arith.constant 320 : index
    %swap3A_259 = tpu.vector_load %arg18[%swap3A_258] {strides = array<i32>} : memref<512xi32, #tpu.memory_space<vmem>>, vector<16xi32>,
    %swap3A_260 = vector.shape_cast %swap3A_259 : vector<16xi32> to vector<16xi32>
    %swap3A_261 = vector.shape_cast %shift_right_logical3A_257 : vector<16xi32> to vector<16xi32>
    tpu.vector_store %arg18[%swap3A_258], %swap3A_261 {strides = array<i32>} : memref<512xi32, #tpu.memory_space<vmem>>, vector<16xi32>,
    %get3A_262 = arith.constant 21 : i32
    %get3A_263 = arith.index_cast %get3A_262 : i32 to index
    %get3A_264 = arith.constant 0 : index
    %get3A_265 = tpu.vector_load %arg17[%get3A_263, %get3A_264] {strides = array<i32>} : memref<32x128xi32, #tpu.memory_space<vmem>>, vector<1x16xi32>,
    %get3A_266 = vector.shape_cast %get3A_265 : vector<1x16xi32> to vector<16xi32>
    %shift_right_logical3A_267 = arith.constant 2 : i32
    %shift_right_logical3A_268 = vector.broadcast %shift_right_logical3A_267 : i32 to vector<16xi32>
    %shift_right_logical3A_269 = arith.shrui %get3A_266, %shift_right_logical3A_268 : vector<16xi32>
    %swap3A_270 = arith.constant 336 : index
    %swap3A_271 = tpu.vector_load %arg18[%swap3A_270] {strides = array<i32>} : memref<512xi32, #tpu.memory_space<vmem>>, vector<16xi32>,
    %swap3A_272 = vector.shape_cast %swap3A_271 : vector<16xi32> to vector<16xi32>
    %swap3A_273 = vector.shape_cast %shift_right_logical3A_269 : vector<16xi32> to vector<16xi32>
    tpu.vector_store %arg18[%swap3A_270], %swap3A_273 {strides = array<i32>} : memref<512xi32, #tpu.memory_space<vmem>>, vector<16xi32>,
    %get3A_274 = arith.constant 22 : i32
    %get3A_275 = arith.index_cast %get3A_274 : i32 to index
    %get3A_276 = arith.constant 0 : index
    %get3A_277 = tpu.vector_load %arg17[%get3A_275, %get3A_276] {strides = array<i32>} : memref<32x128xi32, #tpu.memory_space<vmem>>, vector<1x16xi32>,
    %get3A_278 = vector.shape_cast %get3A_277 : vector<1x16xi32> to vector<16xi32>
    %shift_right_logical3A_279 = arith.constant 2 : i32
    %shift_right_logical3A_280 = vector.broadcast %shift_right_logical3A_279 : i32 to vector<16xi32>
    %shift_right_logical3A_281 = arith.shrui %get3A_278, %shift_right_logical3A_280 : vector<16xi32>
    %swap3A_282 = arith.constant 352 : index
    %swap3A_283 = tpu.vector_load %arg18[%swap3A_282] {strides = array<i32>} : memref<512xi32, #tpu.memory_space<vmem>>, vector<16xi32>,
    %swap3A_284 = vector.shape_cast %swap3A_283 : vector<16xi32> to vector<16xi32>
    %swap3A_285 = vector.shape_cast %shift_right_logical3A_281 : vector<16xi32> to vector<16xi32>
    tpu.vector_store %arg18[%swap3A_282], %swap3A_285 {strides = array<i32>} : memref<512xi32, #tpu.memory_space<vmem>>, vector<16xi32>,
    %get3A_286 = arith.constant 23 : i32
    %get3A_287 = arith.index_cast %get3A_286 : i32 to index
    %get3A_288 = arith.constant 0 : index
    %get3A_289 = tpu.vector_load %arg17[%get3A_287, %get3A_288] {strides = array<i32>} : memref<32x128xi32, #tpu.memory_space<vmem>>, vector<1x16xi32>,
    %get3A_290 = vector.shape_cast %get3A_289 : vector<1x16xi32> to vector<16xi32>
    %shift_right_logical3A_291 = arith.constant 2 : i32
    %shift_right_logical3A_292 = vector.broadcast %shift_right_logical3A_291 : i32 to vector<16xi32>
    %shift_right_logical3A_293 = arith.shrui %get3A_290, %shift_right_logical3A_292 : vector<16xi32>
    %swap3A_294 = arith.constant 368 : index
    %swap3A_295 = tpu.vector_load %arg18[%swap3A_294] {strides = array<i32>} : memref<512xi32, #tpu.memory_space<vmem>>, vector<16xi32>,
    %swap3A_296 = vector.shape_cast %swap3A_295 : vector<16xi32> to vector<16xi32>
    %swap3A_297 = vector.shape_cast %shift_right_logical3A_293 : vector<16xi32> to vector<16xi32>
    tpu.vector_store %arg18[%swap3A_294], %swap3A_297 {strides = array<i32>} : memref<512xi32, #tpu.memory_space<vmem>>, vector<16xi32>,
    %get3A_298 = arith.constant 24 : i32
    %get3A_299 = arith.index_cast %get3A_298 : i32 to index
    %get3A_300 = arith.constant 0 : index
    %get3A_301 = tpu.vector_load %arg17[%get3A_299, %get3A_300] {strides = array<i32>} : memref<32x128xi32, #tpu.memory_space<vmem>>, vector<1x16xi32>,
    %get3A_302 = vector.shape_cast %get3A_301 : vector<1x16xi32> to vector<16xi32>
    %shift_right_logical3A_303 = arith.constant 2 : i32
    %shift_right_logical3A_304 = vector.broadcast %shift_right_logical3A_303 : i32 to vector<16xi32>
    %shift_right_logical3A_305 = arith.shrui %get3A_302, %shift_right_logical3A_304 : vector<16xi32>
    %swap3A_306 = arith.constant 384 : index
    %swap3A_307 = tpu.vector_load %arg18[%swap3A_306] {strides = array<i32>} : memref<512xi32, #tpu.memory_space<vmem>>, vector<16xi32>,
    %swap3A_308 = vector.shape_cast %swap3A_307 : vector<16xi32> to vector<16xi32>
    %swap3A_309 = vector.shape_cast %shift_right_logical3A_305 : vector<16xi32> to vector<16xi32>
    tpu.vector_store %arg18[%swap3A_306], %swap3A_309 {strides = array<i32>} : memref<512xi32, #tpu.memory_space<vmem>>, vector<16xi32>,
    %get3A_310 = arith.constant 25 : i32
    %get3A_311 = arith.index_cast %get3A_310 : i32 to index
    %get3A_312 = arith.constant 0 : index
    %get3A_313 = tpu.vector_load %arg17[%get3A_311, %get3A_312] {strides = array<i32>} : memref<32x128xi32, #tpu.memory_space<vmem>>, vector<1x16xi32>,
    %get3A_314 = vector.shape_cast %get3A_313 : vector<1x16xi32> to vector<16xi32>
    %shift_right_logical3A_315 = arith.constant 2 : i32
    %shift_right_logical3A_316 = vector.broadcast %shift_right_logical3A_315 : i32 to vector<16xi32>
    %shift_right_logical3A_317 = arith.shrui %get3A_314, %shift_right_logical3A_316 : vector<16xi32>
    %swap3A_318 = arith.constant 400 : index
    %swap3A_319 = tpu.vector_load %arg18[%swap3A_318] {strides = array<i32>} : memref<512xi32, #tpu.memory_space<vmem>>, vector<16xi32>,
    %swap3A_320 = vector.shape_cast %swap3A_319 : vector<16xi32> to vector<16xi32>
    %swap3A_321 = vector.shape_cast %shift_right_logical3A_317 : vector<16xi32> to vector<16xi32>
    tpu.vector_store %arg18[%swap3A_318], %swap3A_321 {strides = array<i32>} : memref<512xi32, #tpu.memory_space<vmem>>, vector<16xi32>,
    %get3A_322 = arith.constant 26 : i32
    %get3A_323 = arith.index_cast %get3A_322 : i32 to index
    %get3A_324 = arith.constant 0 : index
    %get3A_325 = tpu.vector_load %arg17[%get3A_323, %get3A_324] {strides = array<i32>} : memref<32x128xi32, #tpu.memory_space<vmem>>, vector<1x16xi32>,
    %get3A_326 = vector.shape_cast %get3A_325 : vector<1x16xi32> to vector<16xi32>
    %shift_right_logical3A_327 = arith.constant 2 : i32
    %shift_right_logical3A_328 = vector.broadcast %shift_right_logical3A_327 : i32 to vector<16xi32>
    %shift_right_logical3A_329 = arith.shrui %get3A_326, %shift_right_logical3A_328 : vector<16xi32>
    %swap3A_330 = arith.constant 416 : index
    %swap3A_331 = tpu.vector_load %arg18[%swap3A_330] {strides = array<i32>} : memref<512xi32, #tpu.memory_space<vmem>>, vector<16xi32>,
    %swap3A_332 = vector.shape_cast %swap3A_331 : vector<16xi32> to vector<16xi32>
    %swap3A_333 = vector.shape_cast %shift_right_logical3A_329 : vector<16xi32> to vector<16xi32>
    tpu.vector_store %arg18[%swap3A_330], %swap3A_333 {strides = array<i32>} : memref<512xi32, #tpu.memory_space<vmem>>, vector<16xi32>,
    %get3A_334 = arith.constant 27 : i32
    %get3A_335 = arith.index_cast %get3A_334 : i32 to index
    %get3A_336 = arith.constant 0 : index
    %get3A_337 = tpu.vector_load %arg17[%get3A_335, %get3A_336] {strides = array<i32>} : memref<32x128xi32, #tpu.memory_space<vmem>>, vector<1x16xi32>,
    %get3A_338 = vector.shape_cast %get3A_337 : vector<1x16xi32> to vector<16xi32>
    %shift_right_logical3A_339 = arith.constant 2 : i32
    %shift_right_logical3A_340 = vector.broadcast %shift_right_logical3A_339 : i32 to vector<16xi32>
    %shift_right_logical3A_341 = arith.shrui %get3A_338, %shift_right_logical3A_340 : vector<16xi32>
    %swap3A_342 = arith.constant 432 : index
    %swap3A_343 = tpu.vector_load %arg18[%swap3A_342] {strides = array<i32>} : memref<512xi32, #tpu.memory_space<vmem>>, vector<16xi32>,
    %swap3A_344 = vector.shape_cast %swap3A_343 : vector<16xi32> to vector<16xi32>
    %swap3A_345 = vector.shape_cast %shift_right_logical3A_341 : vector<16xi32> to vector<16xi32>
    tpu.vector_store %arg18[%swap3A_342], %swap3A_345 {strides = array<i32>} : memref<512xi32, #tpu.memory_space<vmem>>, vector<16xi32>,
    %get3A_346 = arith.constant 28 : i32
    %get3A_347 = arith.index_cast %get3A_346 : i32 to index
    %get3A_348 = arith.constant 0 : index
    %get3A_349 = tpu.vector_load %arg17[%get3A_347, %get3A_348] {strides = array<i32>} : memref<32x128xi32, #tpu.memory_space<vmem>>, vector<1x16xi32>,
    %get3A_350 = vector.shape_cast %get3A_349 : vector<1x16xi32> to vector<16xi32>
    %shift_right_logical3A_351 = arith.constant 2 : i32
    %shift_right_logical3A_352 = vector.broadcast %shift_right_logical3A_351 : i32 to vector<16xi32>
    %shift_right_logical3A_353 = arith.shrui %get3A_350, %shift_right_logical3A_352 : vector<16xi32>
    %swap3A_354 = arith.constant 448 : index
    %swap3A_355 = tpu.vector_load %arg18[%swap3A_354] {strides = array<i32>} : memref<512xi32, #tpu.memory_space<vmem>>, vector<16xi32>,
    %swap3A_356 = vector.shape_cast %swap3A_355 : vector<16xi32> to vector<16xi32>
    %swap3A_357 = vector.shape_cast %shift_right_logical3A_353 : vector<16xi32> to vector<16xi32>
    tpu.vector_store %arg18[%swap3A_354], %swap3A_357 {strides = array<i32>} : memref<512xi32, #tpu.memory_space<vmem>>, vector<16xi32>,
    %get3A_358 = arith.constant 29 : i32
    %get3A_359 = arith.index_cast %get3A_358 : i32 to index
    %get3A_360 = arith.constant 0 : index
    %get3A_361 = tpu.vector_load %arg17[%get3A_359, %get3A_360] {strides = array<i32>} : memref<32x128xi32, #tpu.memory_space<vmem>>, vector<1x16xi32>,
    %get3A_362 = vector.shape_cast %get3A_361 : vector<1x16xi32> to vector<16xi32>
    %shift_right_logical3A_363 = arith.constant 2 : i32
    %shift_right_logical3A_364 = vector.broadcast %shift_right_logical3A_363 : i32 to vector<16xi32>
    %shift_right_logical3A_365 = arith.shrui %get3A_362, %shift_right_logical3A_364 : vector<16xi32>
    %swap3A_366 = arith.constant 464 : index
    %swap3A_367 = tpu.vector_load %arg18[%swap3A_366] {strides = array<i32>} : memref<512xi32, #tpu.memory_space<vmem>>, vector<16xi32>,
    %swap3A_368 = vector.shape_cast %swap3A_367 : vector<16xi32> to vector<16xi32>
    %swap3A_369 = vector.shape_cast %shift_right_logical3A_365 : vector<16xi32> to vector<16xi32>
    tpu.vector_store %arg18[%swap3A_366], %swap3A_369 {strides = array<i32>} : memref<512xi32, #tpu.memory_space<vmem>>, vector<16xi32>,
    %get3A_370 = arith.constant 30 : i32
    %get3A_371 = arith.index_cast %get3A_370 : i32 to index
    %get3A_372 = arith.constant 0 : index
    %get3A_373 = tpu.vector_load %arg17[%get3A_371, %get3A_372] {strides = array<i32>} : memref<32x128xi32, #tpu.memory_space<vmem>>, vector<1x16xi32>,
    %get3A_374 = vector.shape_cast %get3A_373 : vector<1x16xi32> to vector<16xi32>
    %shift_right_logical3A_375 = arith.constant 2 : i32
    %shift_right_logical3A_376 = vector.broadcast %shift_right_logical3A_375 : i32 to vector<16xi32>
    %shift_right_logical3A_377 = arith.shrui %get3A_374, %shift_right_logical3A_376 : vector<16xi32>
    %swap3A_378 = arith.constant 480 : index
    %swap3A_379 = tpu.vector_load %arg18[%swap3A_378] {strides = array<i32>} : memref<512xi32, #tpu.memory_space<vmem>>, vector<16xi32>,
    %swap3A_380 = vector.shape_cast %swap3A_379 : vector<16xi32> to vector<16xi32>
    %swap3A_381 = vector.shape_cast %shift_right_logical3A_377 : vector<16xi32> to vector<16xi32>
    tpu.vector_store %arg18[%swap3A_378], %swap3A_381 {strides = array<i32>} : memref<512xi32, #tpu.memory_space<vmem>>, vector<16xi32>,
    %get3A_382 = arith.constant 31 : i32
    %get3A_383 = arith.index_cast %get3A_382 : i32 to index
    %get3A_384 = arith.constant 0 : index
    %get3A_385 = tpu.vector_load %arg17[%get3A_383, %get3A_384] {strides = array<i32>} : memref<32x128xi32, #tpu.memory_space<vmem>>, vector<1x16xi32>,
    %get3A_386 = vector.shape_cast %get3A_385 : vector<1x16xi32> to vector<16xi32>
    %shift_right_logical3A_387 = arith.constant 2 : i32
    %shift_right_logical3A_388 = vector.broadcast %shift_right_logical3A_387 : i32 to vector<16xi32>
    %shift_right_logical3A_389 = arith.shrui %get3A_386, %shift_right_logical3A_388 : vector<16xi32>
    %swap3A_390 = arith.constant 496 : index
    %swap3A_391 = tpu.vector_load %arg18[%swap3A_390] {strides = array<i32>} : memref<512xi32, #tpu.memory_space<vmem>>, vector<16xi32>,
    %swap3A_392 = vector.shape_cast %swap3A_391 : vector<16xi32> to vector<16xi32>
    %swap3A_393 = vector.shape_cast %shift_right_logical3A_389 : vector<16xi32> to vector<16xi32>
    tpu.vector_store %arg18[%swap3A_390], %swap3A_393 {strides = array<i32>} : memref<512xi32, #tpu.memory_space<vmem>>, vector<16xi32>,
    %dma_start3A_394 = arith.constant 0 : i32
    %dma_start3A_395 = arith.constant 0 : i32
    %dma_start3A_396 = tpu.memref_slice %arg19[%dma_start3A_394, %dma_start3A_395] : memref<512x128xf32, #tpu.memory_space<vmem>> -> memref<128x128xf32, #tpu.memory_space<vmem>>
    %dma_start3A_397 = arith.constant 0 : i32
    %dma_start3A_398 = tpu.memref_slice %arg18[%dma_start3A_397] : memref<512xi32, #tpu.memory_space<vmem>> -> memref<128xi32, #tpu.memory_space<vmem>>
    %dma_start3A_399 = arith.constant 0 : i32
    %dma_start3A_400 = arith.constant 0 : i32
    %dma_start3A_401 = tpu.memref_slice %arg7[%dma_start3A_399, %dma_start3A_400] : memref<25000x128xf32, #tpu.memory_space<hbm>> -> memref<25000x128xf32, #tpu.memory_space<hbm>>
    tpu.enqueue_indirect_dma source(%dma_start3A_401 : memref<25000x128xf32, #tpu.memory_space<hbm>>) target(%dma_start3A_396 : memref<128x128xf32, #tpu.memory_space<vmem>>) offsets(%dma_start3A_398 : memref<128xi32, #tpu.memory_space<vmem>>) semaphore(%arg21 : memref<!tpu.dma_semaphore, #tpu.memory_space<semaphore_mem>>)
    %dma_start3A_402 = arith.constant 128 : i32
    %dma_start3A_403 = arith.constant 0 : i32
    %dma_start3A_404 = tpu.memref_slice %arg19[%dma_start3A_402, %dma_start3A_403] : memref<512x128xf32, #tpu.memory_space<vmem>> -> memref<128x128xf32, #tpu.memory_space<vmem>>
    %dma_start3A_405 = arith.constant 128 : i32
    %dma_start3A_406 = tpu.memref_slice %arg18[%dma_start3A_405] : memref<512xi32, #tpu.memory_space<vmem>> -> memref<128xi32, #tpu.memory_space<vmem>>
    %dma_start3A_407 = arith.constant 0 : i32
    %dma_start3A_408 = arith.constant 0 : i32
    %dma_start3A_409 = tpu.memref_slice %arg7[%dma_start3A_407, %dma_start3A_408] : memref<25000x128xf32, #tpu.memory_space<hbm>> -> memref<25000x128xf32, #tpu.memory_space<hbm>>
    tpu.enqueue_indirect_dma source(%dma_start3A_409 : memref<25000x128xf32, #tpu.memory_space<hbm>>) target(%dma_start3A_404 : memref<128x128xf32, #tpu.memory_space<vmem>>) offsets(%dma_start3A_406 : memref<128xi32, #tpu.memory_space<vmem>>) semaphore(%arg21 : memref<!tpu.dma_semaphore, #tpu.memory_space<semaphore_mem>>)
    %dma_start3A_410 = arith.constant 256 : i32
    %dma_start3A_411 = arith.constant 0 : i32
    %dma_start3A_412 = tpu.memref_slice %arg19[%dma_start3A_410, %dma_start3A_411] : memref<512x128xf32, #tpu.memory_space<vmem>> -> memref<128x128xf32, #tpu.memory_space<vmem>>
    %dma_start3A_413 = arith.constant 256 : i32
    %dma_start3A_414 = tpu.memref_slice %arg18[%dma_start3A_413] : memref<512xi32, #tpu.memory_space<vmem>> -> memref<128xi32, #tpu.memory_space<vmem>>
    %dma_start3A_415 = arith.constant 0 : i32
    %dma_start3A_416 = arith.constant 0 : i32
    %dma_start3A_417 = tpu.memref_slice %arg7[%dma_start3A_415, %dma_start3A_416] : memref<25000x128xf32, #tpu.memory_space<hbm>> -> memref<25000x128xf32, #tpu.memory_space<hbm>>
    tpu.enqueue_indirect_dma source(%dma_start3A_417 : memref<25000x128xf32, #tpu.memory_space<hbm>>) target(%dma_start3A_412 : memref<128x128xf32, #tpu.memory_space<vmem>>) offsets(%dma_start3A_414 : memref<128xi32, #tpu.memory_space<vmem>>) semaphore(%arg21 : memref<!tpu.dma_semaphore, #tpu.memory_space<semaphore_mem>>)
    %dma_start3A_418 = arith.constant 384 : i32
    %dma_start3A_419 = arith.constant 0 : i32
    %dma_start3A_420 = tpu.memref_slice %arg19[%dma_start3A_418, %dma_start3A_419] : memref<512x128xf32, #tpu.memory_space<vmem>> -> memref<128x128xf32, #tpu.memory_space<vmem>>
    %dma_start3A_421 = arith.constant 384 : i32
    %dma_start3A_422 = tpu.memref_slice %arg18[%dma_start3A_421] : memref<512xi32, #tpu.memory_space<vmem>> -> memref<128xi32, #tpu.memory_space<vmem>>
    %dma_start3A_423 = arith.constant 0 : i32
    %dma_start3A_424 = arith.constant 0 : i32
    %dma_start3A_425 = tpu.memref_slice %arg7[%dma_start3A_423, %dma_start3A_424] : memref<25000x128xf32, #tpu.memory_space<hbm>> -> memref<25000x128xf32, #tpu.memory_space<hbm>>
    tpu.enqueue_indirect_dma source(%dma_start3A_425 : memref<25000x128xf32, #tpu.memory_space<hbm>>) target(%dma_start3A_420 : memref<128x128xf32, #tpu.memory_space<vmem>>) offsets(%dma_start3A_422 : memref<128xi32, #tpu.memory_space<vmem>>) semaphore(%arg21 : memref<!tpu.dma_semaphore, #tpu.memory_space<semaphore_mem>>)
    %dma_wait3A_426 = arith.constant 0 : i32
    %dma_wait3A_427 = arith.constant 0 : i32
    %dma_wait3A_428 = tpu.memref_slice %arg6[%dma_wait3A_426, %dma_wait3A_427] : memref<2500x128xf32, #tpu.memory_space<hbm>> -> memref<2500x128xf32, #tpu.memory_space<hbm>>
    tpu.wait_indirect_dma semaphore(%arg20 : memref<!tpu.dma_semaphore, #tpu.memory_space<semaphore_mem>>) src(%dma_wait3A_428 : memref<2500x128xf32, #tpu.memory_space<hbm>>) dst(%arg15 : memref<32x128xf32, #tpu.memory_space<vmem>>)
    %dma_wait3A_429 = arith.constant 0 : i32
    %dma_wait3A_430 = arith.constant 0 : i32
    %dma_wait3A_431 = tpu.memref_slice %arg7[%dma_wait3A_429, %dma_wait3A_430] : memref<25000x128xf32, #tpu.memory_space<hbm>> -> memref<25000x128xf32, #tpu.memory_space<hbm>>
    tpu.wait_indirect_dma semaphore(%arg20 : memref<!tpu.dma_semaphore, #tpu.memory_space<semaphore_mem>>) src(%dma_wait3A_431 : memref<25000x128xf32, #tpu.memory_space<hbm>>) dst(%arg16 : memref<32x128xf32, #tpu.memory_space<vmem>>)
    %dma_wait3A_432 = arith.constant 0 : i32
    %dma_wait3A_433 = arith.constant 0 : i32
    %dma_wait3A_434 = tpu.memref_slice %arg19[%dma_wait3A_432, %dma_wait3A_433] : memref<512x128xf32, #tpu.memory_space<vmem>> -> memref<128x128xf32, #tpu.memory_space<vmem>>
    %dma_wait3A_435 = arith.constant 0 : i32
    %dma_wait3A_436 = tpu.memref_slice %arg18[%dma_wait3A_435] : memref<512xi32, #tpu.memory_space<vmem>> -> memref<128xi32, #tpu.memory_space<vmem>>
    %dma_wait3A_437 = arith.constant 0 : i32
    %dma_wait3A_438 = arith.constant 0 : i32
    %dma_wait3A_439 = tpu.memref_slice %arg7[%dma_wait3A_437, %dma_wait3A_438] : memref<25000x128xf32, #tpu.memory_space<hbm>> -> memref<25000x128xf32, #tpu.memory_space<hbm>>
    tpu.wait_indirect_dma semaphore(%arg21 : memref<!tpu.dma_semaphore, #tpu.memory_space<semaphore_mem>>) src(%dma_wait3A_439 : memref<25000x128xf32, #tpu.memory_space<hbm>>) dst(%dma_wait3A_434 : memref<128x128xf32, #tpu.memory_space<vmem>>)
    %dma_wait3A_440 = arith.constant 128 : i32
    %dma_wait3A_441 = arith.constant 0 : i32
    %dma_wait3A_442 = tpu.memref_slice %arg19[%dma_wait3A_440, %dma_wait3A_441] : memref<512x128xf32, #tpu.memory_space<vmem>> -> memref<128x128xf32, #tpu.memory_space<vmem>>
    %dma_wait3A_443 = arith.constant 128 : i32
    %dma_wait3A_444 = tpu.memref_slice %arg18[%dma_wait3A_443] : memref<512xi32, #tpu.memory_space<vmem>> -> memref<128xi32, #tpu.memory_space<vmem>>
    %dma_wait3A_445 = arith.constant 0 : i32
    %dma_wait3A_446 = arith.constant 0 : i32
    %dma_wait3A_447 = tpu.memref_slice %arg7[%dma_wait3A_445, %dma_wait3A_446] : memref<25000x128xf32, #tpu.memory_space<hbm>> -> memref<25000x128xf32, #tpu.memory_space<hbm>>
    tpu.wait_indirect_dma semaphore(%arg21 : memref<!tpu.dma_semaphore, #tpu.memory_space<semaphore_mem>>) src(%dma_wait3A_447 : memref<25000x128xf32, #tpu.memory_space<hbm>>) dst(%dma_wait3A_442 : memref<128x128xf32, #tpu.memory_space<vmem>>)
    %dma_wait3A_448 = arith.constant 256 : i32
    %dma_wait3A_449 = arith.constant 0 : i32
    %dma_wait3A_450 = tpu.memref_slice %arg19[%dma_wait3A_448, %dma_wait3A_449] : memref<512x128xf32, #tpu.memory_space<vmem>> -> memref<128x128xf32, #tpu.memory_space<vmem>>
    %dma_wait3A_451 = arith.constant 256 : i32
    %dma_wait3A_452 = tpu.memref_slice %arg18[%dma_wait3A_451] : memref<512xi32, #tpu.memory_space<vmem>> -> memref<128xi32, #tpu.memory_space<vmem>>
    %dma_wait3A_453 = arith.constant 0 : i32
    %dma_wait3A_454 = arith.constant 0 : i32
    %dma_wait3A_455 = tpu.memref_slice %arg7[%dma_wait3A_453, %dma_wait3A_454] : memref<25000x128xf32, #tpu.memory_space<hbm>> -> memref<25000x128xf32, #tpu.memory_space<hbm>>
    tpu.wait_indirect_dma semaphore(%arg21 : memref<!tpu.dma_semaphore, #tpu.memory_space<semaphore_mem>>) src(%dma_wait3A_455 : memref<25000x128xf32, #tpu.memory_space<hbm>>) dst(%dma_wait3A_450 : memref<128x128xf32, #tpu.memory_space<vmem>>)
    %dma_wait3A_456 = arith.constant 384 : i32
    %dma_wait3A_457 = arith.constant 0 : i32
    %dma_wait3A_458 = tpu.memref_slice %arg19[%dma_wait3A_456, %dma_wait3A_457] : memref<512x128xf32, #tpu.memory_space<vmem>> -> memref<128x128xf32, #tpu.memory_space<vmem>>
    %dma_wait3A_459 = arith.constant 384 : i32
    %dma_wait3A_460 = tpu.memref_slice %arg18[%dma_wait3A_459] : memref<512xi32, #tpu.memory_space<vmem>> -> memref<128xi32, #tpu.memory_space<vmem>>
    %dma_wait3A_461 = arith.constant 0 : i32
    %dma_wait3A_462 = arith.constant 0 : i32
    %dma_wait3A_463 = tpu.memref_slice %arg7[%dma_wait3A_461, %dma_wait3A_462] : memref<25000x128xf32, #tpu.memory_space<hbm>> -> memref<25000x128xf32, #tpu.memory_space<hbm>>
    tpu.wait_indirect_dma semaphore(%arg21 : memref<!tpu.dma_semaphore, #tpu.memory_space<semaphore_mem>>) src(%dma_wait3A_463 : memref<25000x128xf32, #tpu.memory_space<hbm>>) dst(%dma_wait3A_458 : memref<128x128xf32, #tpu.memory_space<vmem>>)
    "tpu.region"() ({
      %run_scoped3A = tpu.sem_alloc : memref<!tpu.dma_semaphore, #tpu.memory_space<semaphore_mem>>
      %dma_start3A_466 = arith.constant 0 : i32
      %dma_start3A_467 = tpu.memref_slice %arg8[%mul3A_2, %dma_start3A_466] : memref<1024x128xf32, #tpu.memory_space<hbm>> -> memref<32x128xf32, #tpu.memory_space<hbm>>
      %dma_start3A_468 = arith.constant 0 : i32
      %dma_start3A_469 = tpu.memref_slice %arg8[%mul3A_2, %dma_start3A_468] : memref<1024x128xf32, #tpu.memory_space<hbm>> -> memref<32x128xf32, #tpu.memory_space<hbm>>
      tpu.enqueue_dma source(%arg15 : memref<32x128xf32, #tpu.memory_space<vmem>>) target(%dma_start3A_469 : memref<32x128xf32, #tpu.memory_space<hbm>>) target_semaphore(%run_scoped3A : memref<!tpu.dma_semaphore, #tpu.memory_space<semaphore_mem>>)
      %dma_wait3A_470 = arith.constant 0 : i32
      %dma_wait3A_471 = tpu.memref_slice %arg8[%mul3A_2, %dma_wait3A_470] : memref<1024x128xf32, #tpu.memory_space<hbm>> -> memref<32x128xf32, #tpu.memory_space<hbm>>
      %dma_wait3A_472 = arith.constant 0 : i32
      %dma_wait3A_473 = tpu.memref_slice %arg8[%mul3A_2, %dma_wait3A_472] : memref<1024x128xf32, #tpu.memory_space<hbm>> -> memref<32x128xf32, #tpu.memory_space<hbm>>
      tpu.wait_dma2 semaphore(%run_scoped3A : memref<!tpu.dma_semaphore, #tpu.memory_space<semaphore_mem>>) src(%arg15 : memref<32x128xf32, #tpu.memory_space<vmem>>) dst(%dma_wait3A_473 : memref<32x128xf32, #tpu.memory_space<hbm>>)
      tpu.yield
    }) : () -> ()
    "tpu.region"() ({
      %run_scoped3A = tpu.sem_alloc : memref<!tpu.dma_semaphore, #tpu.memory_space<semaphore_mem>>
      %dma_start3A_466 = arith.constant 0 : i32
      %dma_start3A_467 = tpu.memref_slice %arg9[%mul3A_2, %dma_start3A_466] : memref<1024x128xf32, #tpu.memory_space<hbm>> -> memref<32x128xf32, #tpu.memory_space<hbm>>
      %dma_start3A_468 = arith.constant 0 : i32
      %dma_start3A_469 = tpu.memref_slice %arg9[%mul3A_2, %dma_start3A_468] : memref<1024x128xf32, #tpu.memory_space<hbm>> -> memref<32x128xf32, #tpu.memory_space<hbm>>
      tpu.enqueue_dma source(%arg16 : memref<32x128xf32, #tpu.memory_space<vmem>>) target(%dma_start3A_469 : memref<32x128xf32, #tpu.memory_space<hbm>>) target_semaphore(%run_scoped3A : memref<!tpu.dma_semaphore, #tpu.memory_space<semaphore_mem>>)
      %dma_wait3A_470 = arith.constant 0 : i32
      %dma_wait3A_471 = tpu.memref_slice %arg9[%mul3A_2, %dma_wait3A_470] : memref<1024x128xf32, #tpu.memory_space<hbm>> -> memref<32x128xf32, #tpu.memory_space<hbm>>
      %dma_wait3A_472 = arith.constant 0 : i32
      %dma_wait3A_473 = tpu.memref_slice %arg9[%mul3A_2, %dma_wait3A_472] : memref<1024x128xf32, #tpu.memory_space<hbm>> -> memref<32x128xf32, #tpu.memory_space<hbm>>
      tpu.wait_dma2 semaphore(%run_scoped3A : memref<!tpu.dma_semaphore, #tpu.memory_space<semaphore_mem>>) src(%arg16 : memref<32x128xf32, #tpu.memory_space<vmem>>) dst(%dma_wait3A_473 : memref<32x128xf32, #tpu.memory_space<hbm>>)
      tpu.yield
    }) : () -> ()
    "tpu.region"() ({
      %run_scoped3A = tpu.sem_alloc : memref<!tpu.dma_semaphore, #tpu.memory_space<semaphore_mem>>
      %dma_start3A_466 = arith.constant 0 : i32
      %dma_start3A_467 = tpu.memref_slice %arg10[%mul3A_2, %dma_start3A_466] : memref<1024x128xi32, #tpu.memory_space<hbm>> -> memref<32x128xi32, #tpu.memory_space<hbm>>
      %dma_start3A_468 = arith.constant 0 : i32
      %dma_start3A_469 = tpu.memref_slice %arg10[%mul3A_2, %dma_start3A_468] : memref<1024x128xi32, #tpu.memory_space<hbm>> -> memref<32x128xi32, #tpu.memory_space<hbm>>
      tpu.enqueue_dma source(%arg17 : memref<32x128xi32, #tpu.memory_space<vmem>>) target(%dma_start3A_469 : memref<32x128xi32, #tpu.memory_space<hbm>>) target_semaphore(%run_scoped3A : memref<!tpu.dma_semaphore, #tpu.memory_space<semaphore_mem>>)
      %dma_wait3A_470 = arith.constant 0 : i32
      %dma_wait3A_471 = tpu.memref_slice %arg10[%mul3A_2, %dma_wait3A_470] : memref<1024x128xi32, #tpu.memory_space<hbm>> -> memref<32x128xi32, #tpu.memory_space<hbm>>
      %dma_wait3A_472 = arith.constant 0 : i32
      %dma_wait3A_473 = tpu.memref_slice %arg10[%mul3A_2, %dma_wait3A_472] : memref<1024x128xi32, #tpu.memory_space<hbm>> -> memref<32x128xi32, #tpu.memory_space<hbm>>
      tpu.wait_dma2 semaphore(%run_scoped3A : memref<!tpu.dma_semaphore, #tpu.memory_space<semaphore_mem>>) src(%arg17 : memref<32x128xi32, #tpu.memory_space<vmem>>) dst(%dma_wait3A_473 : memref<32x128xi32, #tpu.memory_space<hbm>>)
      tpu.yield
    }) : () -> ()
    %mul3A_464 = arith.constant 16 : i32
    %mul3A_465 = arith.muli %mul3A_2, %mul3A_464 : i32
    "tpu.region"() ({
      %run_scoped3A = tpu.sem_alloc : memref<!tpu.dma_semaphore, #tpu.memory_space<semaphore_mem>>
      %dma_start3A_466 = arith.constant 0 : i32
      %dma_start3A_467 = tpu.memref_slice %arg11[%mul3A_465, %dma_start3A_466] : memref<16384x128xf32, #tpu.memory_space<hbm>> -> memref<512x128xf32, #tpu.memory_space<hbm>>
      %dma_start3A_468 = arith.constant 0 : i32
      %dma_start3A_469 = tpu.memref_slice %arg11[%mul3A_465, %dma_start3A_468] : memref<16384x128xf32, #tpu.memory_space<hbm>> -> memref<512x128xf32, #tpu.memory_space<hbm>>
      tpu.enqueue_dma source(%arg19 : memref<512x128xf32, #tpu.memory_space<vmem>>) target(%dma_start3A_469 : memref<512x128xf32, #tpu.memory_space<hbm>>) target_semaphore(%run_scoped3A : memref<!tpu.dma_semaphore, #tpu.memory_space<semaphore_mem>>)
      %dma_wait3A_470 = arith.constant 0 : i32
      %dma_wait3A_471 = tpu.memref_slice %arg11[%mul3A_465, %dma_wait3A_470] : memref<16384x128xf32, #tpu.memory_space<hbm>> -> memref<512x128xf32, #tpu.memory_space<hbm>>
      %dma_wait3A_472 = arith.constant 0 : i32
      %dma_wait3A_473 = tpu.memref_slice %arg11[%mul3A_465, %dma_wait3A_472] : memref<16384x128xf32, #tpu.memory_space<hbm>> -> memref<512x128xf32, #tpu.memory_space<hbm>>
      tpu.wait_dma2 semaphore(%run_scoped3A : memref<!tpu.dma_semaphore, #tpu.memory_space<semaphore_mem>>) src(%arg19 : memref<512x128xf32, #tpu.memory_space<vmem>>) dst(%dma_wait3A_473 : memref<512x128xf32, #tpu.memory_space<hbm>>)
      tpu.yield
    }) : () -> ()
    return
  }
}

module attributes {stable_mosaic.version = 14 : i64} {
  func.func @_tc_body(%arg0: i32, %arg1: memref<128x1xi32, #tpu.memory_space<vmem>>, %arg2: memref<128x1xi32, #tpu.memory_space<vmem>>, %arg3: memref<128x128xf32, #tpu.memory_space<vmem>>, %arg4: memref<128x128xf32, #tpu.memory_space<vmem>>, %arg5: memref<128x128xi32, #tpu.memory_space<vmem>>, %arg6: memref<2048x128xf32, #tpu.memory_space<vmem>>, %arg7: memref<32x32xf32, #tpu.memory_space<vmem>>, %arg8: memref<32x32xf32, #tpu.memory_space<vmem>>, %arg9: memref<1x32xf32, #tpu.memory_space<vmem>>, %arg10: memref<128x1xf32, #tpu.memory_space<vmem>>) attributes {dimension_semantics = [#tpu.dimension_semantics<arbitrary>], iteration_bounds = array<i64: 8>, scalar_prefetch = 0 : i64, scratch_operands = 0 : i64, tpu.core_type = #tpu.core_type<tc>, window_params = [{transform_indices = @transform_0, window_bounds = array<i64: 128, 1>}, {transform_indices = @transform_1, window_bounds = array<i64: 128, 1>}, {transform_indices = @transform_2, window_bounds = array<i64: 128, 128>}, {transform_indices = @transform_3, window_bounds = array<i64: 128, 128>}, {transform_indices = @transform_4, window_bounds = array<i64: 128, 128>}, {transform_indices = @transform_5, window_bounds = array<i64: 2048, 128>}, {pipeline_mode = #tpu.pipeline_mode<synchronous>, transform_indices = @transform_6, window_bounds = array<i64: 32, 32>}, {pipeline_mode = #tpu.pipeline_mode<synchronous>, transform_indices = @transform_7, window_bounds = array<i64: 32, 32>}, {pipeline_mode = #tpu.pipeline_mode<synchronous>, transform_indices = @transform_8, window_bounds = array<i64: 1, 32>}, {transform_indices = @transform_9, window_bounds = array<i64: 128, 1>}]} {
    %get3A = arith.constant 0 : index
    %get3A_0 = arith.constant 0 : index
    %get3A_1 = vector.load %arg1[%get3A, %get3A_0] : memref<128x1xi32, #tpu.memory_space<vmem>>, vector<128x1xi32>
    %and3A = arith.constant 3 : i32
    %and3A_2 = vector.broadcast %and3A : i32 to vector<128x1xi32>
    %and3A_3 = arith.andi %get3A_1, %and3A_2 : vector<128x1xi32>
    %get3A_4 = arith.constant 0 : index
    %get3A_5 = arith.constant 0 : index
    %get3A_6 = vector.load %arg2[%get3A_4, %get3A_5] : memref<128x1xi32, #tpu.memory_space<vmem>>, vector<128x1xi32>
    %and3A_7 = arith.constant 3 : i32
    %and3A_8 = vector.broadcast %and3A_7 : i32 to vector<128x1xi32>
    %and3A_9 = arith.andi %get3A_6, %and3A_8 : vector<128x1xi32>
    %get3A_10 = arith.constant 0 : index
    %get3A_11 = arith.constant 0 : index
    %get3A_12 = vector.load %arg3[%get3A_10, %get3A_11] : memref<128x128xf32, #tpu.memory_space<vmem>>, vector<128x128xf32>
    %reshape3A = vector.shape_cast %get3A_12 : vector<128x128xf32> to vector<128x4x32xf32>
    %squeeze3A = vector.shape_cast %and3A_3 : vector<128x1xi32> to vector<128xi32>
    %iota3A = tpu.iota {dimensions = array<i32: 1>} : vector<128x4x32xi32>
    %broadcast_in_dim3A = vector.shape_cast %squeeze3A : vector<128xi32> to vector<128x1x1xi32>
    %eq3A = vector.broadcast %broadcast_in_dim3A : vector<128x1x1xi32> to vector<128x4x32xi32>
    %eq3A_13 = arith.cmpi eq, %eq3A, %iota3A : vector<128x4x32xi32>
    %jit3A = arith.constant 0.000000e+00 : f32
    %broadcast_in_dim3A_14 = vector.broadcast %jit3A : f32 to vector<128x4x32xf32>
    %select_n3A = arith.select %eq3A_13, %reshape3A, %broadcast_in_dim3A_14 : vector<128x4x32xi1>, vector<128x4x32xf32>
    %reduce_sum3A = arith.constant dense<0.000000e+00> : vector<128x32xf32>
    %reduce_sum3A_15 = vector.multi_reduction <add>, %select_n3A, %reduce_sum3A [1] : vector<128x4x32xf32> to vector<128x32xf32>
    %get3A_16 = arith.constant 0 : index
    %get3A_17 = arith.constant 0 : index
    %get3A_18 = vector.load %arg4[%get3A_16, %get3A_17] : memref<128x128xf32, #tpu.memory_space<vmem>>, vector<128x128xf32>
    %reshape3A_19 = vector.shape_cast %get3A_18 : vector<128x128xf32> to vector<128x4x32xf32>
    %squeeze3A_20 = vector.shape_cast %and3A_9 : vector<128x1xi32> to vector<128xi32>
    %iota3A_21 = tpu.iota {dimensions = array<i32: 1>} : vector<128x4x32xi32>
    %broadcast_in_dim3A_22 = vector.shape_cast %squeeze3A_20 : vector<128xi32> to vector<128x1x1xi32>
    %eq3A_23 = vector.broadcast %broadcast_in_dim3A_22 : vector<128x1x1xi32> to vector<128x4x32xi32>
    %eq3A_24 = arith.cmpi eq, %eq3A_23, %iota3A_21 : vector<128x4x32xi32>
    %jit3A_25 = arith.constant 0.000000e+00 : f32
    %broadcast_in_dim3A_26 = vector.broadcast %jit3A_25 : f32 to vector<128x4x32xf32>
    %select_n3A_27 = arith.select %eq3A_24, %reshape3A_19, %broadcast_in_dim3A_26 : vector<128x4x32xi1>, vector<128x4x32xf32>
    %reduce_sum3A_28 = arith.constant dense<0.000000e+00> : vector<128x32xf32>
    %reduce_sum3A_29 = vector.multi_reduction <add>, %select_n3A_27, %reduce_sum3A_28 [1] : vector<128x4x32xf32> to vector<128x32xf32>
    %get3A_30 = arith.constant 0 : index
    %get3A_31 = arith.constant 0 : index
    %get3A_32 = vector.load %arg7[%get3A_30, %get3A_31] : memref<32x32xf32, #tpu.memory_space<vmem>>, vector<32x32xf32>
    %dot_general3A = arith.constant dense<0.000000e+00> : vector<128x32xf32>
    %dot_general3A_33 = tpu.matmul %reduce_sum3A_15, %get3A_32, %dot_general3A {dimension_numbers = #tpu.dot_dimension_numbers<[1], [1], [0], [0], [0, 0, 1, 0], [], []>, transpose_lhs_hint = false} : vector<128x32xf32>, vector<32x32xf32>, vector<128x32xf32> -> vector<128x32xf32>
    %get3A_34 = arith.constant 0 : index
    %get3A_35 = arith.constant 0 : index
    %get3A_36 = vector.load %arg5[%get3A_34, %get3A_35] : memref<128x128xi32, #tpu.memory_space<vmem>>, vector<128x128xi32>
    %slice3A = vector.extract_strided_slice %get3A_36 {offsets = [0, 0], sizes = [128, 16], strides = [1, 1]} : vector<128x128xi32> to vector<128x16xi32>
    %slice3A_37 = vector.extract_strided_slice %get3A_36 {offsets = [0, 16], sizes = [128, 16], strides = [1, 1]} : vector<128x128xi32> to vector<128x16xi32>
    %iota3A_38 = tpu.iota {dimensions = array<i32: 2>} : vector<128x16x32xi32>
    %broadcast_in_dim3A_39 = vector.shape_cast %slice3A_37 : vector<128x16xi32> to vector<128x16x1xi32>
    %eq3A_40 = vector.broadcast %broadcast_in_dim3A_39 : vector<128x16x1xi32> to vector<128x16x32xi32>
    %eq3A_41 = arith.cmpi eq, %eq3A_40, %iota3A_38 : vector<128x16x32xi32>
    %broadcast_in_dim3A_42 = vector.shape_cast %dot_general3A_33 : vector<128x32xf32> to vector<128x1x32xf32>
    %jit3A_43 = arith.constant 0.000000e+00 : f32
    %broadcast_in_dim3A_44 = vector.shape_cast %broadcast_in_dim3A_42 : vector<128x1x32xf32> to vector<128x1x32xf32>
    %broadcast_in_dim3A_45 = vector.broadcast %broadcast_in_dim3A_44 : vector<128x1x32xf32> to vector<128x16x32xf32>
    %broadcast_in_dim3A_46 = vector.broadcast %jit3A_43 : f32 to vector<128x16x32xf32>
    %select_n3A_47 = arith.select %eq3A_41, %broadcast_in_dim3A_45, %broadcast_in_dim3A_46 : vector<128x16x32xi1>, vector<128x16x32xf32>
    %reduce_sum3A_48 = arith.constant dense<0.000000e+00> : vector<128x16xf32>
    %reduce_sum3A_49 = vector.multi_reduction <add>, %select_n3A_47, %reduce_sum3A_48 [2] : vector<128x16x32xf32> to vector<128x16xf32>
    %reduce_max3A = arith.constant dense<0xFF800000> : vector<128xf32>
    %reduce_max3A_50 = vector.multi_reduction <maximumf>, %reduce_sum3A_49, %reduce_max3A [1] : vector<128x16xf32> to vector<128xf32>
    %max3A = arith.constant 0xFF800000 : f32
    %max3A_51 = vector.broadcast %max3A : f32 to vector<128xf32>
    %max3A_52 = arith.maximumf %max3A_51, %reduce_max3A_50 : vector<128xf32>
    %broadcast_in_dim3A_53 = vector.shape_cast %max3A_52 : vector<128xf32> to vector<128x1xf32>
    %sub3A = vector.broadcast %broadcast_in_dim3A_53 : vector<128x1xf32> to vector<128x16xf32>
    %sub3A_54 = arith.subf %reduce_sum3A_49, %sub3A : vector<128x16xf32>
    %exp3A = math.exp %sub3A_54 : vector<128x16xf32>
    %reduce_sum3A_55 = arith.constant dense<0.000000e+00> : vector<128xf32>
    %reduce_sum3A_56 = vector.multi_reduction <add>, %exp3A, %reduce_sum3A_55 [1] : vector<128x16xf32> to vector<128xf32>
    %broadcast_in_dim3A_57 = vector.shape_cast %reduce_sum3A_56 : vector<128xf32> to vector<128x1xf32>
    %div3A = vector.broadcast %broadcast_in_dim3A_57 : vector<128x1xf32> to vector<128x16xf32>
    %div3A_58 = arith.divf %exp3A, %div3A : vector<128x16xf32>
    %get3A_59 = arith.constant 0 : index
    %get3A_60 = arith.constant 0 : index
    %get3A_61 = vector.load %arg6[%get3A_59, %get3A_60] : memref<2048x128xf32, #tpu.memory_space<vmem>>, vector<2048x128xf32>
    %reshape3A_62 = vector.shape_cast %get3A_61 : vector<2048x128xf32> to vector<128x16x4x32xf32>
    %and3A_63 = arith.constant 3 : i32
    %and3A_64 = vector.broadcast %and3A_63 : i32 to vector<128x16xi32>
    %and3A_65 = arith.andi %slice3A, %and3A_64 : vector<128x16xi32>
    %iota3A_66 = tpu.iota {dimensions = array<i32: 2>} : vector<128x16x4x32xi32>
    %broadcast_in_dim3A_67 = vector.shape_cast %and3A_65 : vector<128x16xi32> to vector<128x16x1x1xi32>
    %eq3A_68 = vector.broadcast %broadcast_in_dim3A_67 : vector<128x16x1x1xi32> to vector<128x16x4x32xi32>
    %eq3A_69 = arith.cmpi eq, %eq3A_68, %iota3A_66 : vector<128x16x4x32xi32>
    %jit3A_70 = arith.constant 0.000000e+00 : f32
    %broadcast_in_dim3A_71 = vector.broadcast %jit3A_70 : f32 to vector<128x16x4x32xf32>
    %select_n3A_72 = arith.select %eq3A_69, %reshape3A_62, %broadcast_in_dim3A_71 : vector<128x16x4x32xi1>, vector<128x16x4x32xf32>
    %reduce_sum3A_73 = arith.constant dense<0.000000e+00> : vector<128x16x32xf32>
    %reduce_sum3A_74 = vector.multi_reduction <add>, %select_n3A_72, %reduce_sum3A_73 [2] : vector<128x16x4x32xf32> to vector<128x16x32xf32>
    %broadcast_in_dim3A_75 = vector.shape_cast %div3A_58 : vector<128x16xf32> to vector<128x16x1xf32>
    %mul3A = vector.broadcast %broadcast_in_dim3A_75 : vector<128x16x1xf32> to vector<128x16x32xf32>
    %mul3A_76 = arith.mulf %mul3A, %reduce_sum3A_74 : vector<128x16x32xf32>
    %reduce_sum3A_77 = arith.constant dense<0.000000e+00> : vector<128x32xf32>
    %reduce_sum3A_78 = vector.multi_reduction <add>, %mul3A_76, %reduce_sum3A_77 [1] : vector<128x16x32xf32> to vector<128x32xf32>
    %add3A = arith.addf %reduce_sum3A_78, %reduce_sum3A_29 : vector<128x32xf32>
    %get3A_79 = arith.constant 0 : index
    %get3A_80 = arith.constant 0 : index
    %get3A_81 = vector.load %arg8[%get3A_79, %get3A_80] : memref<32x32xf32, #tpu.memory_space<vmem>>, vector<32x32xf32>
    %dot_general3A_82 = arith.constant dense<0.000000e+00> : vector<128x32xf32>
    %dot_general3A_83 = tpu.matmul %add3A, %get3A_81, %dot_general3A_82 {dimension_numbers = #tpu.dot_dimension_numbers<[1], [1], [0], [0], [0, 0, 1, 0], [], []>, transpose_lhs_hint = false} : vector<128x32xf32>, vector<32x32xf32>, vector<128x32xf32> -> vector<128x32xf32>
    %get3A_84 = arith.constant 0 : index
    %get3A_85 = arith.constant 0 : index
    %get3A_86 = vector.load %arg9[%get3A_84, %get3A_85] : memref<1x32xf32, #tpu.memory_space<vmem>>, vector<1x32xf32>
    %add3A_87 = vector.broadcast %get3A_86 : vector<1x32xf32> to vector<128x32xf32>
    %add3A_88 = arith.addf %dot_general3A_83, %add3A_87 : vector<128x32xf32>
    %max3A_89 = arith.constant 0.000000e+00 : f32
    %max3A_90 = vector.broadcast %max3A_89 : f32 to vector<128x32xf32>
    %max3A_91 = arith.maximumf %add3A_88, %max3A_90 : vector<128x32xf32>
    %mul3A_92 = arith.mulf %reduce_sum3A_15, %max3A_91 : vector<128x32xf32>
    %reduce_sum3A_93 = arith.constant dense<0.000000e+00> : vector<128xf32>
    %reduce_sum3A_94 = vector.multi_reduction <add>, %mul3A_92, %reduce_sum3A_93 [1] : vector<128x32xf32> to vector<128xf32>
    %broadcast_in_dim3A_95 = vector.shape_cast %reduce_sum3A_94 : vector<128xf32> to vector<128x1xf32>
    %logistic3A = arith.negf %broadcast_in_dim3A_95 : vector<128x1xf32>
    %logistic3A_96 = math.exp %logistic3A : vector<128x1xf32>
    %logistic3A_97 = arith.constant 1.000000e+00 : f32
    %logistic3A_98 = vector.broadcast %logistic3A_97 : f32 to vector<128x1xf32>
    %logistic3A_99 = arith.addf %logistic3A_98, %logistic3A_96 : vector<128x1xf32>
    %logistic3A_100 = arith.divf %logistic3A_98, %logistic3A_99 : vector<128x1xf32>
    %swap3A = arith.constant 0 : index
    %swap3A_101 = arith.constant 0 : index
    %swap3A_102 = vector.load %arg10[%swap3A, %swap3A_101] : memref<128x1xf32, #tpu.memory_space<vmem>>, vector<128x1xf32>
    tpu.vector_store %arg10[%swap3A, %swap3A_101], %logistic3A_100 {strides = array<i32>} : memref<128x1xf32, #tpu.memory_space<vmem>>, vector<128x1xf32>,
    return
  }
  func.func @transform_0(%arg0: i32) -> (i32, i32) {
    %c0_i32 = arith.constant 0 : i32
    %c0_i32_0 = arith.constant 0 : i32
    return %arg0, %c0_i32 : i32, i32
  }
  func.func @transform_1(%arg0: i32) -> (i32, i32) {
    %c0_i32 = arith.constant 0 : i32
    %c0_i32_0 = arith.constant 0 : i32
    return %arg0, %c0_i32 : i32, i32
  }
  func.func @transform_2(%arg0: i32) -> (i32, i32) {
    %c0_i32 = arith.constant 0 : i32
    %c0_i32_0 = arith.constant 0 : i32
    return %arg0, %c0_i32 : i32, i32
  }
  func.func @transform_3(%arg0: i32) -> (i32, i32) {
    %c0_i32 = arith.constant 0 : i32
    %c0_i32_0 = arith.constant 0 : i32
    return %arg0, %c0_i32 : i32, i32
  }
  func.func @transform_4(%arg0: i32) -> (i32, i32) {
    %c0_i32 = arith.constant 0 : i32
    %c0_i32_0 = arith.constant 0 : i32
    return %arg0, %c0_i32 : i32, i32
  }
  func.func @transform_5(%arg0: i32) -> (i32, i32) {
    %c0_i32 = arith.constant 0 : i32
    %c0_i32_0 = arith.constant 0 : i32
    return %arg0, %c0_i32 : i32, i32
  }
  func.func @transform_6(%arg0: i32) -> (i32, i32) {
    %c0_i32 = arith.constant 0 : i32
    %c0_i32_0 = arith.constant 0 : i32
    %c0_i32_1 = arith.constant 0 : i32
    return %c0_i32, %c0_i32_0 : i32, i32
  }
  func.func @transform_7(%arg0: i32) -> (i32, i32) {
    %c0_i32 = arith.constant 0 : i32
    %c0_i32_0 = arith.constant 0 : i32
    %c0_i32_1 = arith.constant 0 : i32
    return %c0_i32, %c0_i32_0 : i32, i32
  }
  func.func @transform_8(%arg0: i32) -> (i32, i32) {
    %c0_i32 = arith.constant 0 : i32
    %c0_i32_0 = arith.constant 0 : i32
    %c0_i32_1 = arith.constant 0 : i32
    return %c0_i32, %c0_i32_0 : i32, i32
  }
  func.func @transform_9(%arg0: i32) -> (i32, i32) {
    %c0_i32 = arith.constant 0 : i32
    %c0_i32_0 = arith.constant 0 : i32
    return %arg0, %c0_i32 : i32, i32
  }
}

</mosaic_0001>

<sc_bundles>
// kernel: kernel.4.cloned.1.call-start
scs
__scs_entry_jumppad:
0x0: {  	(pc) =	sbr.rel $0x88, $3  }
0x1: {  	(tag) =	ssettag $0x0;
	lr =	simm.s32 $0x1  }
0x2: {  	[smem:$0x3F98] =	sst lr;
	_ =	strace $0xD0000000  }
0x3: {  	_ = 	snop  }
0x4: {  	_ = 	snop  }
0x5: {  	_ = 	snop  }
0x6: {  	_ = 	snop  }
0x7: {  	_ = 	snop  }
__scs_overlays_trampoline_lowered:
0x8: {  	[smem:$0x3FA7] =	sst s0  }
0x9: {  	[smem:$0x3FA8] =	sst s1  }
0xa: {  	[smem:$0x3FA9] =	sst s2  }
0xb: {  	[smem:$0x3FAA] =	sst s3  }
0xc: {  	[smem:$0x3FAB] =	sst s4  }
0xd: {  	[smem:$0x3FAC] =	sst s5  }
0xe: {  	[smem:$0x3FAD] =	sst s6  }
0xf: {  	[smem:$0x3FAE] =	sst s7  }
0x10: {  	[smem:$0x3FAF] =	sst s8  }
0x11: {  	[smem:$0x3FB0] =	sst s9;
	s0 =	simm.s32 @!p0 $0x0  }
0x12: {  	s1 =	sld [smem:$0x3F96];
	s0 =	simm.s32 @p0 $0x1  }
0x13: {  	[smem:$0x3FB1] =	sst s0;
	s0 =	simm.s32 @!p1 $0x0  }
0x14: {  	s2 =	sld [smem:$0x3F95];
	s0 =	simm.s32 @p1 $0x1  }
0x15: {  	[smem:$0x3FB2] =	sst s0;
	s0 =	simm.s32 @!p2 $0x0  }
0x16: {  	s3 =	sld [smem:$0x3FDB];
	s0 =	simm.s32 @p2 $0x1  }
0x17: {  	s4 =	simm.s32 $0x1BF5;
	[smem:$0x3FB4] =	sst s0  }
0x18: {  	s0 =	sld [smem:$0x3F97];
	_ =	swait.ge [sflag:s4], $0x0  }
0x19: {  	s7 =	sld [smem:$0x3F98]  }
0x1a: {  	s8 =	sadd.s32 $0xFFFFE003, lr  }
0x1b: {  	s9 =	sadd.s32 $0xFFFFFEF7, lr;
	s5 =	simm.s32 $0xFFFFFFFF;
	p2 =	slt.u32 s8, $0xFFFFF086  }
0x1c: {  	p1 =	slt.u32 s9, $0xF7A;
	s5 =	simm.s32 @!p2 $0x0  }
0x1d: {  	s5 =	simm.s32 @p1 $0x1;
	p0 =	seq.s32 s7, s2  }
0x1e: {  	s7 =	smul.u32 @!p0 $0xF7A, s2;
	p2 =	seq.s32 @!p0 s5, $0x0  }
0x1f: {  	s9 =	smul.u32 $0xF7A, s1;
	s8 =	simm.s32 @!p0 $0x1BF5;
	p2 =	por !p2, p0  }
0x20: {  	[sflag:s8] =	ssyncset.s32 @!p0 $0xFFFFF086;
	s6 =	sadd.s32 @!p0 s3, s7;
	s7 =	simm.s32 @!p0 $0x108  }
0x21: {  	s3 =	sadd.s32 s3, s9;
	s6 =	sadd.s32 @!p0 $0x88, s6;
	s7 =	simm.s32 @p2 $0x1082  }
0x22: {  	[simem:s7], [sflag:s8] =	dma.local @!p0 [hbm:s6], $0xF7A  }
0x23: {  	s9 =	sor.u32 $0xD0000000, s2;
	s6 =	simm.s32 $0x108;
	_ =	swait.ge @!p0 [sflag:s8], $0x0  }
0x24: {  	s3 =	sadd.s32 $0x88, s3;
	s6 =	simm.s32 @!p1 $0x1082;
	[sflag:s4] =	ssyncset.s32 $0xFFFFF086  }
0x25: {  	[simem:s6], [sflag:s4] =	dma.local [hbm:s3], $0xF7A  }
0x26: {  	[smem:$0x3F98] =	sst s1;
	(tag) =	ssettag s2;
	_ =	strace s9  }
0x27: {  	s1 =	sld [smem:$0x3FA8]  }
0x28: {  	s2 =	sld [smem:$0x3FA9]  }
0x29: {  	s4 =	sld [smem:$0x3FAB]  }
0x2a: {  	p0 =	seq.s32 s5, $0x0;
	s5 =	sld [smem:$0x3FAC]  }
0x2b: {  	s6 =	sld [smem:$0x3FAD]  }
0x2c: {  	s7 =	sld [smem:$0x3FAE]  }
0x2d: {  	s3 =	simm.s32 $0x108;
	s8 =	sld [smem:$0x3FAF]  }
0x2e: {  	s3 =	simm.s32 @!p0 $0x1082;
	s9 =	sld [smem:$0x3FB0]  }
0x2f: {  	lr =	sadd.s32 s0, s3;
	s0 =	sld [smem:$0x3FA7]  }
0x30: {  	s3 =	sld [smem:$0x3FAA]  }
0x31: {  	[smem:$0x3FB3] =	sst s10  }
0x32: {  	s10 =	sld [smem:$0x3FB1];
	_ =	sdelay $0x3  }
0x33: {  	p0 =	seq.s32 s10, $0x1;
	s10 =	sld [smem:$0x3FB3];
	_ =	sdelay $0x3  }
0x34: {  	[smem:$0x3FB3] =	sst s10  }
0x35: {  	s10 =	sld [smem:$0x3FB2];
	_ =	sdelay $0x3  }
0x36: {  	p1 =	seq.s32 s10, $0x1;
	s10 =	sld [smem:$0x3FB3];
	_ =	sdelay $0x3  }
0x37: {  	[smem:$0x3FB3] =	sst s10  }
0x38: {  	s10 =	sld [smem:$0x3FB4]  }
0x39: {  	_ = 	snop;
	(pc) =	sbr.ind lr, $3  }
0x3a: {  	_ = 	snop  }
0x3b: {  	_ = 	snop  }
0x3c: {  	p2 =	seq.s32 s10, $0x1;
	s10 =	sld [smem:$0x3FB3]  }
0x3d: {  	_ =	shalt  }
0x3e: {  	_ =	shalt  }
0x3f: {  	_ =	shalt  }
0x40: {  	_ =	shalt  }
0x41: {  	_ =	shalt  }
0x42: {  	_ =	shalt  }
0x43: {  	_ =	shalt  }
0x44: {  	_ =	shalt  }
0x45: {  	_ =	shalt  }
0x46: {  	_ =	shalt  }
0x47: {  	_ =	shalt  }
0x48: {  	_ =	shalt  }
0x49: {  	_ =	shalt  }
0x4a: {  	_ =	shalt  }
0x4b: {  	_ =	shalt  }
0x4c: {  	_ =	shalt  }
0x4d: {  	_ =	shalt  }
0x4e: {  	_ =	shalt  }
0x4f: {  	_ =	shalt  }
0x50: {  	_ =	shalt  }
0x51: {  	_ =	shalt  }
0x52: {  	_ =	shalt  }
0x53: {  	_ =	shalt  }
0x54: {  	_ =	shalt  }
0x55: {  	_ =	shalt  }
0x56: {  	_ =	shalt  }
0x57: {  	_ =	shalt  }
0x58: {  	_ =	shalt  }
0x59: {  	_ =	shalt  }
0x5a: {  	_ =	shalt  }
0x5b: {  	_ =	shalt  }
0x5c: {  	_ =	shalt  }
0x5d: {  	_ =	shalt  }
0x5e: {  	_ =	shalt  }
0x5f: {  	_ =	shalt  }
0x60: {  	_ =	shalt  }
0x61: {  	_ =	shalt  }
0x62: {  	_ =	shalt  }
0x63: {  	_ =	shalt  }
0x64: {  	_ =	shalt  }
0x65: {  	_ =	shalt  }
0x66: {  	_ =	shalt  }
0x67: {  	_ =	shalt  }
0x68: {  	_ =	shalt  }
0x69: {  	_ =	shalt  }
0x6a: {  	_ =	shalt  }
0x6b: {  	_ =	shalt  }
0x6c: {  	_ =	shalt  }
0x6d: {  	_ =	shalt  }
0x6e: {  	_ =	shalt  }
0x6f: {  	_ =	shalt  }
0x70: {  	_ =	shalt  }
0x71: {  	_ =	shalt  }
0x72: {  	_ =	shalt  }
0x73: {  	_ =	shalt  }
0x74: {  	_ =	shalt  }
0x75: {  	_ =	shalt  }
0x76: {  	_ =	shalt  }
0x77: {  	_ =	shalt  }
0x78: {  	_ =	shalt  }
0x79: {  	_ =	shalt  }
0x7a: {  	_ =	shalt  }
0x7b: {  	_ =	shalt  }
0x7c: {  	_ =	shalt  }
0x7d: {  	_ =	shalt  }
0x7e: {  	_ =	shalt  }
0x7f: {  	_ =	shalt  }
0x80: {  	_ =	shalt  }
0x81: {  	_ =	shalt  }
0x82: {  	_ =	shalt  }
0x83: {  	_ =	shalt  }
0x84: {  	_ =	shalt  }
0x85: {  	_ =	shalt  }
0x86: {  	_ =	shalt  }
0x87: {  	_ =	shalt  }
.Lfunc_end0:
.L_simem_size_0:
called_computation_lowered:
.L_overlay_start_0:
0x88: {  	s2 =	sld [smem:$0x3FD9]  }
0x89: {  	s3 =	sld [smem:$0x3FFE];
	_ =	sdelay $0x1  }
0x8a: {  	s1 =	srdreg.scid  }
0x8b: {  	s0 =	sand.u32 $0x1, s1  }
0x8c: {  	s17 =	sshll.u32 s0, $0xA;
	s2 =	sadd.s32 s3, s2  }
0x8d: {  	s2 =	sadd.s32 s2, s17  }
0x8e: {  	[smem:$0x3FBF] =	sst s2  }
0x8f: {  	_ = 	snop  }
0x90: {  	s2 =	sld [smem:$0x3FC8]  }
0x91: {  	s18 =	sld [smem:$0x3FD0];
	(tm) =	ssettm $0x1  }
0x92: {  	s4 =	sld [smem:$0x3FFB];
	_ =	sdelay $0x3  }
0x93: {  	_ =	strace s4  }
0x94: {  	s4 =	sld [smem:$0x3FFC];
	_ =	sdelay $0x3  }
0x95: {  	_ =	strace s4  }
0x96: {  	s4 =	sld [smem:$0x3FFD];
	_ =	sdelay $0x3  }
0x97: {  	_ =	strace s4  }
0x98: {  	_ =	strace $0x8FFFFFFF  }
0x99: {  	s19 =	sld [smem:$0x3FDB];
	_ =	sdelay $0x1  }
0x9a: {  	s5 =	simm.s32 $_scs_section_size  }
0x9b: {  	s6 =	simm.s32 $_size__tile_overlayer_lowered;
	s7 =	simm.s32 $_tile_overlayer_lowered  }
0x9c: {  	s22 =	simm.s32 $0x1BFF;
	s21 =	sshll.u32 s7, $0x1;
	s4 =	sadd.s32 s5, s19  }
0x9d: {  	s8 =	simm.s32 $0x0;
	s20 =	sshll.u32 s6, $0x1;
	s6 =	sadd.s32 s21, s4  }
0x9e: {  	[timem:s8], [sflag:s22] =	dma.local [hbm:s6], s20  }
0x9f: {  	_ =	swait.ge [sflag:s22], s20  }
0xa0: {  	s5 =	ssub.s32 $0x0, s20;
	[sflag:s22] =	ssyncset.done $0x0  }
0xa1: {  	[sflag:s22] =	ssyncadd.s32 s5;
	_ =	sdelay $0x1  }
0xa2: {  	s23 =	simm.s32 $0x1B8B  }
0xa3: {  	_ =	swait.ge [sflag:s23], $0x1  }
0xa4: {  	[sflag:s23] =	ssyncset.done $0x0  }
0xa5: {  	s25 =	simm.s32 $0x1B8E;
	s24 =	sld [smem:$0x3FFE];
	[sflag:s23] =	ssyncadd.s32 $0xFFFFFFFF  }
0xa6: {  	s26 =	simm.s32 $execute0_lowered;
	[smem:$0x3FD2] =	sst s25  }
0xa7: {  	s6 =	sshll.u32 s26, $0x1;
	_ =	strace $0x80000046;
	[dreg:$0x1] =	wrdreg $0xFFFFFFFF  }
0xa8: {  	s28 =	simm.s32 $_size_execute0_lowered;
	s4 =	sadd.s32 s4, s6;
	[dreg:$0x0] =	wrdreg $0x0  }
0xa9: {  	s6 =	sshll.u32 s28, $0x1;
	[dreg:$0x2] =	wrdreg s4  }
0xaa: {  	[dreg:$0x3] =	wrdreg s6  }
0xab: {  	[dreg:$0x4] =	wrdreg $0xC0  }
0xac: {  	_ =	task [dreg:s8], $0x5FFFF  }
0xad: {  	[dreg:$0x1] =	wrdreg $0xFFFFFFFF  }
0xae: {  	[dreg:$0x0] =	wrdreg $0x60  }
0xaf: {  	[dreg:$0x2] =	wrdreg s24  }
0xb0: {  	[dreg:$0x3] =	wrdreg s2  }
0xb1: {  	[dreg:$0x4] =	wrdreg s18  }
0xb2: {  	[dreg:$0x5] =	wrdreg $0x9  }
0xb3: {  	_ =	task.clear_ibuf [dreg:s8], $0x6FFFF;
	_ =	strace $0x90000046  }
0xb4: {  	s29 =	simm.s32 $0x9;
	_ =	strace $0x80000048  }
0xb5: {  	_ =	swait.ge [sflag:s29], $0x1  }
0xb6: {  	[sflag:s29] =	ssyncadd.s32 $0xFFFFFFFF  }
0xb7: {  	_ =	strace $0x90000048  }
0xb8: {  	_ =	sfence  }
0xb9: {  	s30 =	sld [smem:$0x0];
	_ =	sdelay $0x2  }
0xba: {  	s31 =	sshll.u32 s1, $0xD;
	s1 =	sshrl.u32 s1, $0x2  }
0xbb: {  	s3 =	sand.u32 $0x4000, s31;
	s1 =	sadd.s32 s1, s30  }
0xbc: {  	s0 =	sor.u32 s3, s0;
	s1 =	sshll.u32 s1, $0x11  }
0xbd: {  	s0 =	sor.u32 s1, s0  }
0xbe: {  	s0 =	sadd.s32 $0x8F2B, s0  }
0xbf: {  	[sflag:s0] =	ssyncadd.remote.s32 $0x1  }
0xc0: {  	_ =	sfence.sel $0xFFFF  }
0xc1: {  	[dreg:$0x0] =	wrdreg $0xFFFFFFFF;
	(pc) =	sbr.abs _section_cstart, $3  }
0xc2: {  	[dreg:$0x1] =	wrdreg $0xFFFFFFFF  }
0xc3: {  	_ =	task.clear_ibuf [dreg:s8], $0x2FFFF;
	_ =	strace $0x9FFFFFFF  }
0xc4: {  	(tm) =	ssettm $0x7FFFFFFF  }
0xc5: {  	_ =	shalt  }
tec
execute0_lowered:
.L_overlay_start_1:
0x0: {  	(tag) =	ssettag $0x1  }
0x1: {  	s1 =	srdreg.scid;
	s0 =	stileid.u32  }
0x2: {  	s17 =	rddreg [dreg:$0x0];
	s18 =	sand.u32 $0x1, s1;
	s25 =	sshll.u32 s0, $0x1  }
0x3: {  	s5 =	rddreg [dreg:$0x1];
	s19 =	sor.u32 s18, s25  }
0x4: {  	s6 =	rddreg [dreg:$0x2];
	s2 =	simm.s32 $0x0;
	s7 =	sshll.u32 s19, $0x2  }
0x5: {  	[smem:$0x7FF] =	sst s2;
	s3 =	sadd.s32 s7, s17  }
0x6: {  	_ =	strace $0x80000047;
	s4 =	sadd.s32 $0x193400, s3;
	s3 =	simm.s32 $0x3  }
0x7: {  	[tilespmem:s2], [sflag:$0x3] =	stream.linear.gather [hbm4b:s4+s2], $0x20, $0x38;
	[tilespmem:$0x13380] =	vst v63  }
0x8: {  	_ =	swait.ge [sflag:s3], $0x20  }
0x9: {  	[sflag:s3] =	ssyncset.done $0x0  }
0xa: {  	s9 =	simm.s32 $0x80;
	s8 =	sadd.s32 s5, s7;
	[sflag:s3] =	ssyncadd.s32 $0xFFFFFFE0  }
0xb: {  	[tilespmem:s9], [sflag:$0x3] =	stream.linear.gather [hbm4b:s8+s2], $0x20, $0x38;
	[tilespmem:$0x13380] =	vst v63  }
0xc: {  	_ =	swait.ge [sflag:s3], $0x20  }
0xd: {  	[sflag:s3] =	ssyncset.done $0x0  }
0xe: {  	s12 =	simm.s32 $0x100;
	s11 =	sadd.s32 s6, s7;
	[sflag:s3] =	ssyncadd.s32 $0xFFFFFFE0  }
0xf: {  	[tilespmem:s12], [sflag:$0x3] =	stream.linear.gather [hbm4b:s11+s2], $0x20, $0x38;
	[tilespmem:$0x13380] =	vst v63  }
0x10: {  	_ =	swait.ge [sflag:s3], $0x20  }
0x11: {  	s14 =	simm.s32 $0x20;
	[sflag:s3] =	ssyncset.done $0x0  }
0x12: {  	s13 =	sadd.s32 $0x189600, s17;
	s6 =	simm.s32 $0x180;
	[sflag:s3] =	ssyncadd.s32 $0xFFFFFFE0  }
0x13: {  	[tilespmem:s6], [sflag:$0x1] =	stream.indirect.gather [hbm4b:s13+s14], $0x80, s2, s14, $0xb8;
	[tilespmem:$0x13380] =	vst v63  }
0x14: {  	s15 =	sadd.s32 $0x310000, s17;
	s7 =	simm.s32 $0x1180  }
0x15: {  	[tilespmem:s7], [sflag:$0x1] =	stream.indirect.gather [hbm4b:s15+s14], $0x80, s12, s14, $0xb8;
	[tilespmem:$0x13380] =	vst v63  }
0x16: {  	s10 =	simm.s32 $0x2;
	s16 =	sadd.s32 $0x371C00, s17;
	s5 =	simm.s32 $0x2180  }
0x17: {  	[tilespmem:s5], [sflag:$0x2] =	stream.indirect.gather [hbm4b:s16+s14], $0x80, s9, s14, $0xb8;
	[tilespmem:$0x13380] =	vst v63  }
0x18: {  	_ =	swait.ge [sflag:s10], $0x1000  }
0x19: {  	[sflag:s10] =	ssyncset.done $0x0  }
0x1a: {  	[sflag:s10] =	ssyncadd.s32 $0xFFFFF000  }
0x1b: {  	v0 =	vld [tilespmem:$0x3100]  }
0x1c: {  	v1 =	vld [tilespmem:$0x2F00]  }
0x1d: {  	v2 =	vld [tilespmem:$0x3080]  }
0x1e: {  	v3 =	vld [tilespmem:$0x3000]  }
0x1f: {  	v4 =	vld [tilespmem:$0x2F80]  }
0x20: {  	v5 =	vld [tilespmem:$0x2B00];
	v0 =	vshrl.u32 v0, $0x2  }
0x21: {  	v6 =	vld [tilespmem:$0x2E80];
	v1 =	vshrl.u32 v1, $0x2;
	[tilespmem:$0x3370] =	vst v0  }
0x22: {  	v32 =	vld [tilespmem:$0x2D80];
	v31 =	vshrl.u32 v2, $0x2;
	[tilespmem:$0x3330] =	vst v1  }
0x23: {  	v35 =	vld [tilespmem:$0x2C00];
	v3 =	vshrl.u32 v3, $0x2;
	[tilespmem:$0x3360] =	vst v31  }
0x24: {  	v38 =	vld [tilespmem:$0x2700];
	v4 =	vshrl.u32 v4, $0x2;
	[tilespmem:$0x3350] =	vst v3  }
0x25: {  	v44 =	vld [tilespmem:$0x2800];
	v34 =	vshrl.u32 v5, $0x2;
	[tilespmem:$0x3340] =	vst v4  }
0x26: {  	v52 =	vld [tilespmem:$0x2400];
	v37 =	vshrl.u32 v6, $0x2;
	[tilespmem:$0x32B0] =	vst v34  }
0x27: {  	v55 =	vld [tilespmem:$0x2280];
	v2 =	vshrl.u32 v32, $0x2;
	[tilespmem:$0x3320] =	vst v37  }
0x28: {  	v56 =	vld [tilespmem:$0x2200];
	v5 =	vshrl.u32 v35, $0x2;
	[tilespmem:$0x3300] =	vst v2  }
0x29: {  	v58 =	vld [tilespmem:$0x2900];
	v43 =	vshrl.u32 v38, $0x2;
	[tilespmem:$0x32D0] =	vst v5  }
0x2a: {  	v59 =	vld [tilespmem:$0x2180];
	v6 =	vshrl.u32 v44, $0x2;
	[tilespmem:$0x3230] =	vst v43  }
0x2b: {  	v30 =	vld [tilespmem:$0x2E00];
	v57 =	vshrl.u32 v52, $0x2;
	[tilespmem:$0x3250] =	vst v6  }
0x2c: {  	v33 =	vld [tilespmem:$0x2C80];
	v60 =	vshrl.u32 v55, $0x2;
	[tilespmem:$0x31D0] =	vst v57  }
0x2d: {  	v36 =	vld [tilespmem:$0x2B80];
	v61 =	vshrl.u32 v56, $0x2;
	[tilespmem:$0x31A0] =	vst v60  }
0x2e: {  	v39 =	vld [tilespmem:$0x2A80];
	v62 =	vshrl.u32 v58, $0x2;
	[tilespmem:$0x3190] =	vst v61  }
0x2f: {  	v41 =	vld [tilespmem:$0x2980];
	v63 =	vshrl.u32 v59, $0x2;
	[tilespmem:$0x3270] =	vst v62  }
0x30: {  	v46 =	vld [tilespmem:$0x2300];
	v0 =	vshrl.u32 v30, $0x2;
	[tilespmem:$0x3180] =	vst v63  }
0x31: {  	v51 =	vld [tilespmem:$0x2480];
	v1 =	vshrl.u32 v33, $0x2;
	[tilespmem:$0x3310] =	vst v0  }
0x32: {  	v40 =	vld [tilespmem:$0x2A00];
	v3 =	vshrl.u32 v36, $0x2;
	[tilespmem:$0x32E0] =	vst v1  }
0x33: {  	v42 =	vld [tilespmem:$0x2880];
	v4 =	vshrl.u32 v39, $0x2;
	[tilespmem:$0x32C0] =	vst v3  }
0x34: {  	v45 =	vld [tilespmem:$0x2780];
	v2 =	vshrl.u32 v41, $0x2;
	[tilespmem:$0x32A0] =	vst v4  }
0x35: {  	v47 =	vld [tilespmem:$0x2680];
	v5 =	vshrl.u32 v46, $0x2;
	[tilespmem:$0x3280] =	vst v2  }
0x36: {  	v49 =	vld [tilespmem:$0x2580];
	v6 =	vshrl.u32 v51, $0x2;
	[tilespmem:$0x31B0] =	vst v5  }
0x37: {  	v53 =	vld [tilespmem:$0x2380];
	v0 =	vshrl.u32 v40, $0x2;
	[tilespmem:$0x31E0] =	vst v6  }
0x38: {  	v48 =	vld [tilespmem:$0x2600];
	v1 =	vshrl.u32 v42, $0x2;
	[tilespmem:$0x3290] =	vst v0  }
0x39: {  	v50 =	vld [tilespmem:$0x2500];
	v3 =	vshrl.u32 v45, $0x2;
	[tilespmem:$0x3260] =	vst v1  }
0x3a: {  	v54 =	vld [tilespmem:$0x2D00];
	v4 =	vshrl.u32 v47, $0x2;
	[tilespmem:$0x3240] =	vst v3  }
0x3b: {  	v2 =	vshrl.u32 v49, $0x2;
	[tilespmem:$0x3220] =	vst v4  }
0x3c: {  	v5 =	vshrl.u32 v53, $0x2;
	[tilespmem:$0x3200] =	vst v2  }
0x3d: {  	v0 =	vshrl.u32 v48, $0x2;
	[tilespmem:$0x31C0] =	vst v5  }
0x3e: {  	s22 =	simm.s32 $0x3180;
	s18 =	ssub.s32 $0x2, s18;
	s20 =	sshll.u32 s19, $0x9;
	v1 =	vshrl.u32 v50, $0x2;
	[tilespmem:$0x3210] =	vst v0  }
0x3f: {  	s19 =	sshll.u32 s19, $0xD;
	s26 =	sshrl.u32 s18, $0x1;
	s31 =	sadd.s32 s20, s17;
	[tilespmem:$0x31F0] =	vst v1;
	v0 =	vshrl.u32 v54, $0x2  }
0x40: {  	s1 =	sadd.s32 s19, s17;
	s17 =	simm.s32 $0x3380;
	s18 =	ssub.s32 s18, s26;
	[tilespmem:$0x32F0] =	vst v0  }
0x41: {  	[tilespmem:s17], [sflag:$0x2] =	stream.indirect.gather [hbm4b:s15+s9], $0x80, s22, s9, $0xb8;
	[tilespmem:$0x13380] =	vst v63  }
0x42: {  	s23 =	simm.s32 $0x3200;
	s24 =	simm.s32 $0x7380;
	s0 =	smax.u32 s18, $0x1  }
0x43: {  	[tilespmem:s24], [sflag:$0x2] =	stream.indirect.gather [hbm4b:s15+s9], $0x80, s23, s9, $0xb8;
	[tilespmem:$0x13380] =	vst v63  }
0x44: {  	s25 =	simm.s32 $0x3280;
	s26 =	simm.s32 $0xB380;
	p0 =	sne.s32 s0, $0x1  }
0x45: {  	[tilespmem:s26], [sflag:$0x2] =	stream.indirect.gather [hbm4b:s15+s9], $0x80, s25, s9, $0xb8;
	[tilespmem:$0x13380] =	vst v63  }
.Ltmp0:
0x46: {  	s28 =	simm.s32 $0x3300;
	s30 =	simm.s32 $0xF380;
	(pc) =	sbr.rel @!p0 .LBB2_2-.Ltmp0, $4  }
0x47: {  	s29 =	simm.s32 $0x1;
	s21 =	sadd.s32 $0x1D3600, s31;
	s20 =	sadd.s32 $0x1D7600, s31  }
0x48: {  	[tilespmem:s30], [sflag:$0x2] =	stream.indirect.gather [hbm4b:s15+s9], $0x80, s28, s9, $0xb8;
	[tilespmem:$0x13380] =	vst v63  }
0x49: {  	s19 =	sadd.s32 $0x1DB600, s31;
	_ =	swait.ge [sflag:s29], $0x1000  }
0x4a: {  	s18 =	sadd.s32 $0x193600, s1;
	s31 =	sadd.s32 $0xFFFFFFFF, s0;
	[sflag:s29] =	ssyncset.done $0x0  }
.LBB2_1:
0x4b: {  	p0 =	sne.s32 s31, $0x1;
	s31 =	sadd.s32 $0xFFFFFFFF, s31;
	[sflag:s29] =	ssyncadd.s32 $0xFFFFF000  }
0x4c: {  	_ =	swait.ge [sflag:s29], $0x1000  }
0x4d: {  	[sflag:s29] =	ssyncset.done $0x0  }
0x4e: {  	[sflag:s29] =	ssyncadd.s32 $0xFFFFF000  }
0x4f: {  	_ =	swait.ge [sflag:s10], $0x4000  }
0x50: {  	[sflag:s10] =	ssyncset.done $0x0  }
0x51: {  	[sflag:s10] =	ssyncadd.s32 $0xFFFFC000  }
0x52: {  	_ =	swait.ge [sflag:s10], $0x4000  }
0x53: {  	[sflag:s10] =	ssyncset.done $0x0  }
0x54: {  	[sflag:s10] =	ssyncadd.s32 $0xFFFFC000  }
0x55: {  	_ =	swait.ge [sflag:s10], $0x4000  }
0x56: {  	[sflag:s10] =	ssyncset.done $0x0  }
0x57: {  	[sflag:s10] =	ssyncadd.s32 $0xFFFFC000  }
0x58: {  	_ =	swait.ge [sflag:s10], $0x4000  }
0x59: {  	[sflag:s10] =	ssyncset.done $0x0  }
0x5a: {  	[sflag:s10] =	ssyncadd.s32 $0xFFFFC000  }
0x5b: {  	[hbm4b:s21+s2] =	stream.linear.scatter [tilespmem:s6], [sflag:$0x3], $0x1000, $0x38;
	[tilespmem:$0x13380] =	vst v63  }
0x5c: {  	_ =	swait.ge [sflag:s3], $0x1000  }
0x5d: {  	[sflag:s3] =	ssyncset.done $0x0  }
0x5e: {  	[sflag:s3] =	ssyncadd.s32 $0xFFFFF000  }
0x5f: {  	[hbm4b:s20+s2] =	stream.linear.scatter [tilespmem:s7], [sflag:$0x3], $0x1000, $0x38;
	[tilespmem:$0x13380] =	vst v63  }
0x60: {  	_ =	swait.ge [sflag:s3], $0x1000  }
0x61: {  	[sflag:s3] =	ssyncset.done $0x0  }
0x62: {  	[sflag:s3] =	ssyncadd.s32 $0xFFFFF000  }
0x63: {  	[hbm4b:s19+s2] =	stream.linear.scatter [tilespmem:s5], [sflag:$0x3], $0x1000, $0x38;
	[tilespmem:$0x13380] =	vst v63  }
0x64: {  	_ =	swait.ge [sflag:s3], $0x1000  }
0x65: {  	[sflag:s3] =	ssyncset.done $0x0  }
0x66: {  	[sflag:s3] =	ssyncadd.s32 $0xFFFFF000  }
0x67: {  	[hbm4b:s18+s2] =	stream.linear.scatter [tilespmem:s17], [sflag:$0x3], $0x10000, $0x38;
	[tilespmem:$0x13380] =	vst v63  }
0x68: {  	_ =	swait.ge [sflag:s3], $0x10000  }
0x69: {  	[sflag:s3] =	ssyncset.done $0x0  }
0x6a: {  	[sflag:s3] =	ssyncadd.s32 $0xFFFF0000  }
0x6b: {  	[tilespmem:s2], [sflag:$0x3] =	stream.linear.gather [hbm4b:s4+s2], $0x20, $0x38;
	[tilespmem:$0x13380] =	vst v63  }
0x6c: {  	_ =	swait.ge [sflag:s3], $0x20  }
0x6d: {  	[sflag:s3] =	ssyncset.done $0x0  }
0x6e: {  	[sflag:s3] =	ssyncadd.s32 $0xFFFFFFE0  }
0x6f: {  	[tilespmem:s9], [sflag:$0x3] =	stream.linear.gather [hbm4b:s8+s2], $0x20, $0x38;
	[tilespmem:$0x13380] =	vst v63  }
0x70: {  	_ =	swait.ge [sflag:s3], $0x20  }
0x71: {  	[sflag:s3] =	ssyncset.done $0x0  }
0x72: {  	[sflag:s3] =	ssyncadd.s32 $0xFFFFFFE0  }
0x73: {  	[tilespmem:s12], [sflag:$0x3] =	stream.linear.gather [hbm4b:s11+s2], $0x20, $0x38;
	[tilespmem:$0x13380] =	vst v63  }
0x74: {  	_ =	swait.ge [sflag:s3], $0x20  }
0x75: {  	[sflag:s3] =	ssyncset.done $0x0  }
0x76: {  	[sflag:s3] =	ssyncadd.s32 $0xFFFFFFE0  }
0x77: {  	[tilespmem:s6], [sflag:$0x1] =	stream.indirect.gather [hbm4b:s13+s14], $0x80, s2, s14, $0xb8;
	[tilespmem:$0x13380] =	vst v63  }
0x78: {  	_ = 	snop  }
0x79: {  	[tilespmem:s7], [sflag:$0x1] =	stream.indirect.gather [hbm4b:s15+s14], $0x80, s12, s14, $0xb8;
	[tilespmem:$0x13380] =	vst v63  }
0x7a: {  	_ = 	snop  }
0x7b: {  	[tilespmem:s5], [sflag:$0x2] =	stream.indirect.gather [hbm4b:s16+s14], $0x80, s9, s14, $0xb8;
	[tilespmem:$0x13380] =	vst v63  }
0x7c: {  	_ =	swait.ge [sflag:s10], $0x1000  }
0x7d: {  	[sflag:s10] =	ssyncset.done $0x0  }
0x7e: {  	[sflag:s10] =	ssyncadd.s32 $0xFFFFF000  }
0x7f: {  	v0 =	vld [tilespmem:$0x3100]  }
0x80: {  	v1 =	vld [tilespmem:$0x2F00]  }
0x81: {  	v2 =	vld [tilespmem:$0x3080]  }
0x82: {  	v3 =	vld [tilespmem:$0x3000]  }
0x83: {  	v4 =	vld [tilespmem:$0x2F80]  }
0x84: {  	v5 =	vld [tilespmem:$0x2B00];
	v0 =	vshrl.u32 v0, $0x2  }
0x85: {  	v6 =	vld [tilespmem:$0x2E80];
	v1 =	vshrl.u32 v1, $0x2;
	[tilespmem:$0x3370] =	vst v0  }
0x86: {  	v0 =	vld [tilespmem:$0x2E00];
	[tilespmem:$0x3330] =	vst v1;
	v1 =	vshrl.u32 v2, $0x2  }
0x87: {  	v2 =	vld [tilespmem:$0x2D80];
	v3 =	vshrl.u32 v3, $0x2;
	[tilespmem:$0x3360] =	vst v1  }
0x88: {  	v1 =	vld [tilespmem:$0x2C80];
	v4 =	vshrl.u32 v4, $0x2;
	[tilespmem:$0x3350] =	vst v3  }
0x89: {  	v3 =	vshrl.u32 v5, $0x2;
	v5 =	vld [tilespmem:$0x2C00];
	[tilespmem:$0x3340] =	vst v4  }
0x8a: {  	[tilespmem:$0x32B0] =	vst v3;
	v3 =	vld [tilespmem:$0x2B80];
	v4 =	vshrl.u32 v6, $0x2  }
0x8b: {  	v6 =	vld [tilespmem:$0x2700];
	v0 =	vshrl.u32 v0, $0x2;
	[tilespmem:$0x3320] =	vst v4  }
0x8c: {  	v4 =	vld [tilespmem:$0x2A80];
	v2 =	vshrl.u32 v2, $0x2;
	[tilespmem:$0x3310] =	vst v0  }
0x8d: {  	v0 =	vld [tilespmem:$0x2A00];
	v1 =	vshrl.u32 v1, $0x2;
	[tilespmem:$0x3300] =	vst v2  }
0x8e: {  	v2 =	vld [tilespmem:$0x2980];
	v5 =	vshrl.u32 v5, $0x2;
	[tilespmem:$0x32E0] =	vst v1  }
0x8f: {  	v1 =	vld [tilespmem:$0x2880];
	v3 =	vshrl.u32 v3, $0x2;
	[tilespmem:$0x32D0] =	vst v5  }
0x90: {  	v5 =	vshrl.u32 v6, $0x2;
	v6 =	vld [tilespmem:$0x2800];
	[tilespmem:$0x32C0] =	vst v3  }
0x91: {  	[tilespmem:$0x3230] =	vst v5;
	v3 =	vld [tilespmem:$0x2780];
	v4 =	vshrl.u32 v4, $0x2  }
0x92: {  	v5 =	vld [tilespmem:$0x2300];
	v0 =	vshrl.u32 v0, $0x2;
	[tilespmem:$0x32A0] =	vst v4  }
0x93: {  	v4 =	vld [tilespmem:$0x2680];
	v2 =	vshrl.u32 v2, $0x2;
	[tilespmem:$0x3290] =	vst v0  }
0x94: {  	v0 =	vld [tilespmem:$0x2600];
	v1 =	vshrl.u32 v1, $0x2;
	[tilespmem:$0x3280] =	vst v2  }
0x95: {  	v2 =	vld [tilespmem:$0x2580];
	v6 =	vshrl.u32 v6, $0x2;
	[tilespmem:$0x3260] =	vst v1  }
0x96: {  	v1 =	vld [tilespmem:$0x2500];
	v3 =	vshrl.u32 v3, $0x2;
	[tilespmem:$0x3250] =	vst v6  }
0x97: {  	v5 =	vshrl.u32 v5, $0x2;
	v6 =	vld [tilespmem:$0x2480];
	[tilespmem:$0x3240] =	vst v3  }
0x98: {  	[tilespmem:$0x31B0] =	vst v5;
	v3 =	vld [tilespmem:$0x2400];
	v4 =	vshrl.u32 v4, $0x2  }
0x99: {  	v5 =	vld [tilespmem:$0x2380];
	v0 =	vshrl.u32 v0, $0x2;
	[tilespmem:$0x3220] =	vst v4  }
0x9a: {  	v2 =	vshrl.u32 v2, $0x2;
	[tilespmem:$0x3210] =	vst v0;
	v0 =	vld [tilespmem:$0x2D00]  }
0x9b: {  	v4 =	vld [tilespmem:$0x2280];
	v1 =	vshrl.u32 v1, $0x2;
	[tilespmem:$0x3200] =	vst v2  }
0x9c: {  	v2 =	vld [tilespmem:$0x2200];
	v6 =	vshrl.u32 v6, $0x2;
	[tilespmem:$0x31F0] =	vst v1  }
0x9d: {  	v1 =	vshrl.u32 v3, $0x2;
	[tilespmem:$0x31E0] =	vst v6;
	v3 =	vld [tilespmem:$0x2900]  }
0x9e: {  	v6 =	vld [tilespmem:$0x2180];
	v5 =	vshrl.u32 v5, $0x2;
	[tilespmem:$0x31D0] =	vst v1  }
0x9f: {  	[tilespmem:$0x31C0] =	vst v5;
	v0 =	vshrl.u32 v0, $0x2  }
0xa0: {  	v1 =	vshrl.u32 v4, $0x2;
	[tilespmem:$0x32F0] =	vst v0  }
0xa1: {  	v0 =	vshrl.u32 v2, $0x2;
	[tilespmem:$0x31A0] =	vst v1  }
0xa2: {  	[tilespmem:$0x3190] =	vst v0;
	v0 =	vshrl.u32 v3, $0x2  }
0xa3: {  	v1 =	vshrl.u32 v6, $0x2;
	[tilespmem:$0x3270] =	vst v0  }
0xa4: {  	[tilespmem:$0x3180] =	vst v1  }
0xa5: {  	[tilespmem:s17], [sflag:$0x2] =	stream.indirect.gather [hbm4b:s15+s9], $0x80, s22, s9, $0xb8;
	[tilespmem:$0x13380] =	vst v63  }
0xa6: {  	_ = 	snop  }
0xa7: {  	[tilespmem:s24], [sflag:$0x2] =	stream.indirect.gather [hbm4b:s15+s9], $0x80, s23, s9, $0xb8;
	[tilespmem:$0x13380] =	vst v63  }
0xa8: {  	_ = 	snop  }
0xa9: {  	[tilespmem:s26], [sflag:$0x2] =	stream.indirect.gather [hbm4b:s15+s9], $0x80, s25, s9, $0xb8;
	[tilespmem:$0x13380] =	vst v63  }
.Ltmp1:
0xaa: {  	_ = 	snop;
	(pc) =	sbr.rel @p0 .LBB2_1-.Ltmp1, $4  }
0xab: {  	_ = 	snop  }
0xac: {  	[tilespmem:s30], [sflag:$0x2] =	stream.indirect.gather [hbm4b:s15+s9], $0x80, s28, s9, $0xb8;
	[tilespmem:$0x13380] =	vst v63  }
0xad: {  	_ =	swait.ge [sflag:s29], $0x1000  }
0xae: {  	[sflag:s29] =	ssyncset.done $0x0  }
.LBB2_2:
0xaf: {  	[sflag:s29] =	ssyncadd.s32 $0xFFFFF000  }
0xb0: {  	_ =	swait.ge [sflag:s29], $0x1000  }
0xb1: {  	[sflag:s29] =	ssyncset.done $0x0  }
0xb2: {  	[sflag:s29] =	ssyncadd.s32 $0xFFFFF000  }
0xb3: {  	_ =	swait.ge [sflag:s10], $0x4000  }
0xb4: {  	[sflag:s10] =	ssyncset.done $0x0  }
0xb5: {  	[sflag:s10] =	ssyncadd.s32 $0xFFFFC000  }
0xb6: {  	_ =	swait.ge [sflag:s10], $0x4000  }
0xb7: {  	[sflag:s10] =	ssyncset.done $0x0  }
0xb8: {  	[sflag:s10] =	ssyncadd.s32 $0xFFFFC000  }
0xb9: {  	_ =	swait.ge [sflag:s10], $0x4000  }
0xba: {  	[sflag:s10] =	ssyncset.done $0x0  }
0xbb: {  	[sflag:s10] =	ssyncadd.s32 $0xFFFFC000  }
0xbc: {  	_ =	swait.ge [sflag:s10], $0x4000  }
0xbd: {  	[sflag:s10] =	ssyncset.done $0x0  }
0xbe: {  	[sflag:s10] =	ssyncadd.s32 $0xFFFFC000  }
0xbf: {  	[hbm4b:s21+s2] =	stream.linear.scatter [tilespmem:s6], [sflag:$0x3], $0x1000, $0x38;
	[tilespmem:$0x13380] =	vst v63  }
0xc0: {  	_ =	swait.ge [sflag:s3], $0x1000  }
0xc1: {  	[sflag:s3] =	ssyncset.done $0x0  }
0xc2: {  	[sflag:s3] =	ssyncadd.s32 $0xFFFFF000  }
0xc3: {  	[hbm4b:s20+s2] =	stream.linear.scatter [tilespmem:s7], [sflag:$0x3], $0x1000, $0x38;
	[tilespmem:$0x13380] =	vst v63  }
0xc4: {  	_ =	swait.ge [sflag:s3], $0x1000  }
0xc5: {  	[sflag:s3] =	ssyncset.done $0x0  }
0xc6: {  	[sflag:s3] =	ssyncadd.s32 $0xFFFFF000  }
0xc7: {  	[hbm4b:s19+s2] =	stream.linear.scatter [tilespmem:s5], [sflag:$0x3], $0x1000, $0x38;
	[tilespmem:$0x13380] =	vst v63  }
0xc8: {  	_ =	swait.ge [sflag:s3], $0x1000  }
0xc9: {  	[sflag:s3] =	ssyncset.done $0x0  }
0xca: {  	[sflag:s3] =	ssyncadd.s32 $0xFFFFF000  }
0xcb: {  	[hbm4b:s18+s2] =	stream.linear.scatter [tilespmem:s17], [sflag:$0x3], $0x10000, $0x38;
	[tilespmem:$0x13380] =	vst v63  }
0xcc: {  	_ =	swait.ge [sflag:s3], $0x10000  }
0xcd: {  	[sflag:s3] =	ssyncset.done $0x0  }
0xce: {  	[sflag:s3] =	ssyncadd.s32 $0xFFFF0000  }
0xcf: {  	_ =	sfence.sel $0x180000  }
0xd0: {  	[bflag:$0x0] =	sbarrier.arrive $0xFFFF  }
0xd1: {  	_ =	strace $0x90000047  }
0xd2: {  	s0 =	stileid.u32;
	[bflag:$0x2] =	sbarrier.arrive $0xFFFF  }
0xd3: {  	p0 =	sne.s32 s0, $0x0;
	s0 =	rddreg [dreg:$0x3]  }
0xd4: {  	s0 =	sadd.s32 @!p0 $0x100000, s0  }
0xd5: {  	[sflag:s0] =	ssyncadd.tile.s32 @!p0 $0x1;
	_ =	shalt  }
.Lfunc_end2:
_tile_overlayer_lowered:
.L_overlay_start_2:
0xd6: {  	(tag) =	ssettag $0x2  }
0xd7: {  	s0 =	rddreg [dreg:$0x0];
	s2 =	stileid.u32  }
0xd8: {  	s1 =	rddreg [dreg:$0x1];
	p0 =	sne.s32 s2, $0x0  }
0xd9: {  	s3 =	rddreg [dreg:$0x2];
	[bflag:$0x3] =	sbarrier.arrive $0xFFFF;
	s2 =	simm.s32 @!p0 $0x1C03  }
0xda: {  	[timem:s3], [sflag:s2] =	dma.local @!p0 [hbm:s0], s1  }
0xdb: {  	s0 =	simm.s32 @!p0 $0x3  }
0xdc: {  	_ =	swait.ge @!p0 [sflag:s0], s1  }
0xdd: {  	s1 =	ssub.s32 @!p0 $0x0, s1;
	[sflag:s0] =	ssyncset.done @!p0 $0x0  }
0xde: {  	[sflag:s0] =	ssyncadd.s32 @!p0 s1  }
0xdf: {  	[bflag:$0x3] =	sbarrier.arrive $0xFFFF  }
0xe0: {  	_ =	shalt  }

</sc_bundles>
